<compile_context>
chip_gen: v7x
topology: tpu7x:2x2x1
jax: 0.10.2.dev20260603
libtpu: 0.0.44.dev20260713+nightly
codegen_flags: <defaults>
</compile_context>

<pallas_src>
import dataclasses

import jax
import jax.numpy as jnp
from jax.experimental import pallas as pl
from jax.experimental.pallas import tpu as pltpu
from jax.experimental.pallas import tpu_sc as plsc

_N = 131072
_H = 32
_K = 512
_NB = 16384
_RC = 8

_NSC = _N // 2
_NW = 32
_PW = _NSC // _NW
_PT = 128
_NT = _PW // _PT


def _assign_body(cm2_ref, xt_ref, c2_ref, o_ref):
    cm2 = cm2_ref[...]
    dt = jax.lax.dot_general(
        cm2, xt_ref[...], (((1,), (0,)), ((), ())),
        preferred_element_type=jnp.float32) + c2_ref[...]

    best = dt[0:_RC, :]
    bi = jnp.zeros((_RC, _NB), jnp.float32)
    for c in range(1, _K // _RC):
        blk = dt[c * _RC:(c + 1) * _RC, :]
        take = blk < best
        best = jnp.where(take, blk, best)
        bi = jnp.where(take, jnp.float32(c), bi)
    srow = jax.lax.broadcasted_iota(jnp.int32, (_RC, _NB), 0).astype(jnp.float32)
    rowval = bi * jnp.float32(_RC) + srow
    m = jnp.min(best, axis=0, keepdims=True)
    idx = jnp.min(jnp.where(best <= m, rowval, jnp.float32(2 * _K)),
                  axis=0, keepdims=True)
    o_ref[...] = idx.astype(jnp.int32)


def _assign(xt, cm2, c2, n):
    grid = (n // _NB,)
    out = pl.pallas_call(
        _assign_body,
        grid=grid,
        in_specs=[
            pl.BlockSpec((_K, _H), lambda i: (0, 0)),
            pl.BlockSpec((_H, _NB), lambda i: (0, i)),
            pl.BlockSpec((_K, 1), lambda i: (0, 0)),
        ],
        out_specs=pl.BlockSpec((1, _NB), lambda i: (0, i)),
        out_shape=jax.ShapeDtypeStruct((1, n), jnp.int32),
        compiler_params=pltpu.CompilerParams(
            dimension_semantics=("arbitrary",)),
    )(cm2, xt, c2)
    return out.reshape(n, 1)


def _sc_transpose_body(x_hbm, o_hbm, tile_v, ot_v, sem):
    wid = jax.lax.axis_index("c") * 16 + jax.lax.axis_index("s")
    base = wid * _PW
    lane = jax.lax.iota(jnp.int32, 16)

    @pl.loop(0, _NT)
    def _tile(t):
        p0 = base + t * _PT
        pltpu.async_copy(x_hbm.at[pl.ds(p0, _PT), :], tile_v, sem).wait()

        @pl.loop(0, _H)
        def _row(h):
            col = jnp.full((16,), h, jnp.int32)
            for g in range(_PT // 16):
                rows = lane + (g * 16)
                v = plsc.load_gather(tile_v, [rows, col])
                ot_v[h, pl.ds(g * 16, 16)] = v

        pltpu.async_copy(ot_v, o_hbm.at[:, pl.ds(p0, _PT)], sem).wait()


def _sc_cp():
    cp = pltpu.CompilerParams()
    if "needs_layout_passes" in pltpu.CompilerParams.__dataclass_fields__:
        cp = dataclasses.replace(cp, needs_layout_passes=False)
    return cp


def _sc_transpose(x2):
    kern = pl.kernel(
        _sc_transpose_body,
        out_type=jax.ShapeDtypeStruct((_H, _NSC), jnp.float32),
        mesh=plsc.VectorSubcoreMesh(core_axis_name="c", subcore_axis_name="s"),
        compiler_params=_sc_cp(),
        scratch_types=[
            pltpu.VMEM((_PT, _H), jnp.float32),
            pltpu.VMEM((_H, _PT), jnp.float32),
            pltpu.SemaphoreType.DMA,
        ],
    )
    return kern(x2)


def kernel(x, cluster_centers):
    cm2 = -2.0 * cluster_centers
    c2 = jnp.sum(cluster_centers * cluster_centers, axis=1)[:, None]
    x1 = x[:_NSC]
    x2 = x[_NSC:]
    xt2 = _sc_transpose(x2)
    xt1 = x1.T
    o1 = _assign(xt1, cm2, c2, _NSC)
    o2 = _assign(xt2, cm2, c2, _NSC)
    return jnp.concatenate([o1, o2], axis=0)

# --- scband reference (transcript-rebuilt; emitter-appended) ---
"""Pipeline reference for scband-latent-space-clustering-46797963657837 (READ-ONLY COPY).

The authoritative reference and input builder live on the scoring server;
editing this copy changes nothing except your own understanding.
"""

import jax, jax.numpy as jnp
import numpy as np

N = 131072
H = 32
K = 512

def setup_inputs(seed: int = 0) -> dict:
    key = jax.random.key(seed)
    kx, kc = jax.random.split(key)
    x = jax.random.normal(kx, (N, H), dtype=jnp.float32)
    cluster_centers = jax.random.normal(kc, (K, H), dtype=jnp.float32)
    return {"x": x, "cluster_centers": cluster_centers}

def reference(x, cluster_centers):
    # x: [N, H]; faithful to torch: x_expanded = x.unsqueeze(1) -> [N, 1, H]
    x_exp = x[:, None, :]
    # torch.cdist p=2 default uses matmul-based euclidean distance
    x2 = jnp.sum(x_exp * x_exp, axis=-1, keepdims=True)              # [N, 1, 1]
    c2 = jnp.sum(cluster_centers * cluster_centers, axis=-1)          # [K]
    cross = jnp.einsum('nih,kh->nik', x_exp, cluster_centers)         # [N, 1, K]
    d2 = jnp.maximum(x2 + c2[None, None, :] - 2.0 * cross, 0.0)
    distances = jnp.sqrt(d2)                                          # [N, 1, K]
    cluster_assignments = jnp.argmin(distances, axis=-1)              # [N, 1] int
    return cluster_assignments

if __name__ == "__main__":
    import jax
    _d = setup_inputs()
    print(jax.jit(kernel)(*tuple(_d.values())))

</pallas_src>

<mosaic_0001>
#map = affine_map<(d0, d1) -> (0, 0)>
module attributes {stable_mosaic.version = 14 : i64} {
  func.func @_sc_transpose_body(%arg0: i32, %arg1: i32, %arg2: memref<65536x32xf32, #tpu.memory_space<hbm>>, %arg3: memref<32x65536xf32, #tpu.memory_space<hbm>>, %arg4: memref<128x32xf32, #tpu.memory_space<vmem>>, %arg5: memref<32x128xf32, #tpu.memory_space<vmem>>, %arg6: memref<!tpu.dma_semaphore, #tpu.memory_space<semaphore_mem>>) attributes {dimension_semantics = [#tpu.dimension_semantics<core_parallel>, #tpu.dimension_semantics<subcore_parallel>], iteration_bounds = array<i64: 2, 16>, scalar_prefetch = 0 : i64, scratch_operands = 3 : i64, tpu.core_type = #tpu.core_type<sc_vector_subcore>, window_params = [{transform_indices = #map}, {transform_indices = #map}]} {
    %mul3A = arith.constant 16 : i32
    %mul3A_0 = arith.muli %arg0, %mul3A : i32
    %add3A = arith.addi %mul3A_0, %arg1 : i32
    %mul3A_1 = arith.constant 2048 : i32
    %mul3A_2 = arith.muli %add3A, %mul3A_1 : i32
    %iota3A = tpu.iota {dimensions = array<i32: 0>} : vector<16xi32>
    %scan3A = arith.constant 0 : i32
    %scan3A_3 = arith.constant 16 : i32
    %scan3A_4 = arith.addi %scan3A, %scan3A_3 : i32
    %scan3A_5 = arith.constant 1 : i32
    scf.for %scan3A_7 = %scan3A to %scan3A_4 step %scan3A_5  : i32 {
      %mul3A_8 = arith.constant 1 : i32
      %mul3A_9 = arith.muli %scan3A_7, %mul3A_8 : i32
      %add3A_10 = arith.constant 0 : i32
      %add3A_11 = arith.addi %add3A_10, %mul3A_9 : i32
      %mul3A_12 = arith.constant 128 : i32
      %mul3A_13 = arith.muli %add3A_11, %mul3A_12 : i32
      %add3A_14 = arith.addi %mul3A_2, %mul3A_13 : i32
      %dma_start3A = arith.constant 0 : i32
      %dma_start3A_15 = tpu.memref_slice %arg2[%add3A_14, %dma_start3A] : memref<65536x32xf32, #tpu.memory_space<hbm>> -> memref<128x32xf32, #tpu.memory_space<hbm>>
      %dma_start3A_16 = arith.constant 0 : i32
      %dma_start3A_17 = tpu.memref_slice %arg2[%add3A_14, %dma_start3A_16] : memref<65536x32xf32, #tpu.memory_space<hbm>> -> memref<128x32xf32, #tpu.memory_space<hbm>>
      tpu.enqueue_dma source(%dma_start3A_17 : memref<128x32xf32, #tpu.memory_space<hbm>>) target(%arg4 : memref<128x32xf32, #tpu.memory_space<vmem>>) target_semaphore(%arg6 : memref<!tpu.dma_semaphore, #tpu.memory_space<semaphore_mem>>)
      %dma_wait3A = arith.constant 0 : i32
      %dma_wait3A_18 = tpu.memref_slice %arg2[%add3A_14, %dma_wait3A] : memref<65536x32xf32, #tpu.memory_space<hbm>> -> memref<128x32xf32, #tpu.memory_space<hbm>>
      %dma_wait3A_19 = arith.constant 0 : i32
      %dma_wait3A_20 = tpu.memref_slice %arg2[%add3A_14, %dma_wait3A_19] : memref<65536x32xf32, #tpu.memory_space<hbm>> -> memref<128x32xf32, #tpu.memory_space<hbm>>
      tpu.wait_dma2 semaphore(%arg6 : memref<!tpu.dma_semaphore, #tpu.memory_space<semaphore_mem>>) src(%dma_wait3A_20 : memref<128x32xf32, #tpu.memory_space<hbm>>) dst(%arg4 : memref<128x32xf32, #tpu.memory_space<vmem>>)
      %scan3A_21 = arith.constant 0 : i32
      %scan3A_22 = arith.constant 32 : i32
      %scan3A_23 = arith.addi %scan3A_21, %scan3A_22 : i32
      %scan3A_24 = arith.constant 1 : i32
      scf.for %scan3A_34 = %scan3A_21 to %scan3A_23 step %scan3A_24  : i32 {
        %mul3A_35 = arith.constant 1 : i32
        %mul3A_36 = arith.muli %scan3A_34, %mul3A_35 : i32
        %add3A_37 = arith.constant 0 : i32
        %add3A_38 = arith.addi %add3A_37, %mul3A_36 : i32
        %broadcast_in_dim3A = vector.broadcast %add3A_38 : i32 to vector<16xi32>
        %add3A_39 = arith.constant 0 : i32
        %add3A_40 = vector.broadcast %add3A_39 : i32 to vector<16xi32>
        %add3A_41 = arith.addi %iota3A, %add3A_40 : vector<16xi32>
        %gather3A = tpu.vector_load_idx %arg4[%add3A_41, %broadcast_in_dim3A] : memref<128x32xf32, #tpu.memory_space<vmem>>[vector<16xi32>, vector<16xi32>], vector<16xf32>,
        %swap3A = arith.index_cast %add3A_38 : i32 to index
        %swap3A_42 = arith.constant 0 : index
        %swap3A_43 = tpu.vector_load %arg5[%swap3A, %swap3A_42] {strides = array<i32>} : memref<32x128xf32, #tpu.memory_space<vmem>>, vector<16xf32>,
        tpu.vector_store %arg5[%swap3A, %swap3A_42], %gather3A {strides = array<i32>} : memref<32x128xf32, #tpu.memory_space<vmem>>, vector<16xf32>,
        %add3A_44 = arith.constant 16 : i32
        %add3A_45 = vector.broadcast %add3A_44 : i32 to vector<16xi32>
        %add3A_46 = arith.addi %iota3A, %add3A_45 : vector<16xi32>
        %gather3A_47 = tpu.vector_load_idx %arg4[%add3A_46, %broadcast_in_dim3A] : memref<128x32xf32, #tpu.memory_space<vmem>>[vector<16xi32>, vector<16xi32>], vector<16xf32>,
        %swap3A_48 = arith.index_cast %add3A_38 : i32 to index
        %swap3A_49 = arith.constant 16 : index
        %swap3A_50 = tpu.vector_load %arg5[%swap3A_48, %swap3A_49] {strides = array<i32>} : memref<32x128xf32, #tpu.memory_space<vmem>>, vector<16xf32>,
        tpu.vector_store %arg5[%swap3A_48, %swap3A_49], %gather3A_47 {strides = array<i32>} : memref<32x128xf32, #tpu.memory_space<vmem>>, vector<16xf32>,
        %add3A_51 = arith.constant 32 : i32
        %add3A_52 = vector.broadcast %add3A_51 : i32 to vector<16xi32>
        %add3A_53 = arith.addi %iota3A, %add3A_52 : vector<16xi32>
        %gather3A_54 = tpu.vector_load_idx %arg4[%add3A_53, %broadcast_in_dim3A] : memref<128x32xf32, #tpu.memory_space<vmem>>[vector<16xi32>, vector<16xi32>], vector<16xf32>,
        %swap3A_55 = arith.index_cast %add3A_38 : i32 to index
        %swap3A_56 = arith.constant 32 : index
        %swap3A_57 = tpu.vector_load %arg5[%swap3A_55, %swap3A_56] {strides = array<i32>} : memref<32x128xf32, #tpu.memory_space<vmem>>, vector<16xf32>,
        tpu.vector_store %arg5[%swap3A_55, %swap3A_56], %gather3A_54 {strides = array<i32>} : memref<32x128xf32, #tpu.memory_space<vmem>>, vector<16xf32>,
        %add3A_58 = arith.constant 48 : i32
        %add3A_59 = vector.broadcast %add3A_58 : i32 to vector<16xi32>
        %add3A_60 = arith.addi %iota3A, %add3A_59 : vector<16xi32>
        %gather3A_61 = tpu.vector_load_idx %arg4[%add3A_60, %broadcast_in_dim3A] : memref<128x32xf32, #tpu.memory_space<vmem>>[vector<16xi32>, vector<16xi32>], vector<16xf32>,
        %swap3A_62 = arith.index_cast %add3A_38 : i32 to index
        %swap3A_63 = arith.constant 48 : index
        %swap3A_64 = tpu.vector_load %arg5[%swap3A_62, %swap3A_63] {strides = array<i32>} : memref<32x128xf32, #tpu.memory_space<vmem>>, vector<16xf32>,
        tpu.vector_store %arg5[%swap3A_62, %swap3A_63], %gather3A_61 {strides = array<i32>} : memref<32x128xf32, #tpu.memory_space<vmem>>, vector<16xf32>,
        %add3A_65 = arith.constant 64 : i32
        %add3A_66 = vector.broadcast %add3A_65 : i32 to vector<16xi32>
        %add3A_67 = arith.addi %iota3A, %add3A_66 : vector<16xi32>
        %gather3A_68 = tpu.vector_load_idx %arg4[%add3A_67, %broadcast_in_dim3A] : memref<128x32xf32, #tpu.memory_space<vmem>>[vector<16xi32>, vector<16xi32>], vector<16xf32>,
        %swap3A_69 = arith.index_cast %add3A_38 : i32 to index
        %swap3A_70 = arith.constant 64 : index
        %swap3A_71 = tpu.vector_load %arg5[%swap3A_69, %swap3A_70] {strides = array<i32>} : memref<32x128xf32, #tpu.memory_space<vmem>>, vector<16xf32>,
        tpu.vector_store %arg5[%swap3A_69, %swap3A_70], %gather3A_68 {strides = array<i32>} : memref<32x128xf32, #tpu.memory_space<vmem>>, vector<16xf32>,
        %add3A_72 = arith.constant 80 : i32
        %add3A_73 = vector.broadcast %add3A_72 : i32 to vector<16xi32>
        %add3A_74 = arith.addi %iota3A, %add3A_73 : vector<16xi32>
        %gather3A_75 = tpu.vector_load_idx %arg4[%add3A_74, %broadcast_in_dim3A] : memref<128x32xf32, #tpu.memory_space<vmem>>[vector<16xi32>, vector<16xi32>], vector<16xf32>,
        %swap3A_76 = arith.index_cast %add3A_38 : i32 to index
        %swap3A_77 = arith.constant 80 : index
        %swap3A_78 = tpu.vector_load %arg5[%swap3A_76, %swap3A_77] {strides = array<i32>} : memref<32x128xf32, #tpu.memory_space<vmem>>, vector<16xf32>,
        tpu.vector_store %arg5[%swap3A_76, %swap3A_77], %gather3A_75 {strides = array<i32>} : memref<32x128xf32, #tpu.memory_space<vmem>>, vector<16xf32>,
        %add3A_79 = arith.constant 96 : i32
        %add3A_80 = vector.broadcast %add3A_79 : i32 to vector<16xi32>
        %add3A_81 = arith.addi %iota3A, %add3A_80 : vector<16xi32>
        %gather3A_82 = tpu.vector_load_idx %arg4[%add3A_81, %broadcast_in_dim3A] : memref<128x32xf32, #tpu.memory_space<vmem>>[vector<16xi32>, vector<16xi32>], vector<16xf32>,
        %swap3A_83 = arith.index_cast %add3A_38 : i32 to index
        %swap3A_84 = arith.constant 96 : index
        %swap3A_85 = tpu.vector_load %arg5[%swap3A_83, %swap3A_84] {strides = array<i32>} : memref<32x128xf32, #tpu.memory_space<vmem>>, vector<16xf32>,
        tpu.vector_store %arg5[%swap3A_83, %swap3A_84], %gather3A_82 {strides = array<i32>} : memref<32x128xf32, #tpu.memory_space<vmem>>, vector<16xf32>,
        %add3A_86 = arith.constant 112 : i32
        %add3A_87 = vector.broadcast %add3A_86 : i32 to vector<16xi32>
        %add3A_88 = arith.addi %iota3A, %add3A_87 : vector<16xi32>
        %gather3A_89 = tpu.vector_load_idx %arg4[%add3A_88, %broadcast_in_dim3A] : memref<128x32xf32, #tpu.memory_space<vmem>>[vector<16xi32>, vector<16xi32>], vector<16xf32>,
        %swap3A_90 = arith.index_cast %add3A_38 : i32 to index
        %swap3A_91 = arith.constant 112 : index
        %swap3A_92 = tpu.vector_load %arg5[%swap3A_90, %swap3A_91] {strides = array<i32>} : memref<32x128xf32, #tpu.memory_space<vmem>>, vector<16xf32>,
        tpu.vector_store %arg5[%swap3A_90, %swap3A_91], %gather3A_89 {strides = array<i32>} : memref<32x128xf32, #tpu.memory_space<vmem>>, vector<16xf32>,
      }
      %scan3A_25 = arith.constant 32 : i32
      %dma_start3A_26 = arith.constant 0 : i32
      %dma_start3A_27 = tpu.memref_slice %arg3[%dma_start3A_26, %add3A_14] : memref<32x65536xf32, #tpu.memory_space<hbm>> -> memref<32x128xf32, #tpu.memory_space<hbm>>
      %dma_start3A_28 = arith.constant 0 : i32
      %dma_start3A_29 = tpu.memref_slice %arg3[%dma_start3A_28, %add3A_14] : memref<32x65536xf32, #tpu.memory_space<hbm>> -> memref<32x128xf32, #tpu.memory_space<hbm>>
      tpu.enqueue_dma source(%arg5 : memref<32x128xf32, #tpu.memory_space<vmem>>) target(%dma_start3A_29 : memref<32x128xf32, #tpu.memory_space<hbm>>) target_semaphore(%arg6 : memref<!tpu.dma_semaphore, #tpu.memory_space<semaphore_mem>>)
      %dma_wait3A_30 = arith.constant 0 : i32
      %dma_wait3A_31 = tpu.memref_slice %arg3[%dma_wait3A_30, %add3A_14] : memref<32x65536xf32, #tpu.memory_space<hbm>> -> memref<32x128xf32, #tpu.memory_space<hbm>>
      %dma_wait3A_32 = arith.constant 0 : i32
      %dma_wait3A_33 = tpu.memref_slice %arg3[%dma_wait3A_32, %add3A_14] : memref<32x65536xf32, #tpu.memory_space<hbm>> -> memref<32x128xf32, #tpu.memory_space<hbm>>
      tpu.wait_dma2 semaphore(%arg6 : memref<!tpu.dma_semaphore, #tpu.memory_space<semaphore_mem>>) src(%arg5 : memref<32x128xf32, #tpu.memory_space<vmem>>) dst(%dma_wait3A_33 : memref<32x128xf32, #tpu.memory_space<hbm>>)
    }
    %scan3A_6 = arith.constant 16 : i32
    return
  }
}

module attributes {stable_mosaic.version = 14 : i64} {
  func.func @_assign_body(%arg0: i32, %arg1: memref<512x32xf32, #tpu.memory_space<vmem>>, %arg2: memref<32x16384xf32, #tpu.memory_space<vmem>>, %arg3: memref<512x1xf32, #tpu.memory_space<vmem>>, %arg4: memref<1x16384xi32, #tpu.memory_space<vmem>>) attributes {dimension_semantics = [#tpu.dimension_semantics<arbitrary>], iteration_bounds = array<i64: 4>, scalar_prefetch = 0 : i64, scratch_operands = 0 : i64, tpu.core_type = #tpu.core_type<tc>, window_params = [{pipeline_mode = #tpu.pipeline_mode<synchronous>, transform_indices = @transform_0, window_bounds = array<i64: 512, 32>}, {transform_indices = @transform_1, window_bounds = array<i64: 32, 16384>}, {pipeline_mode = #tpu.pipeline_mode<synchronous>, transform_indices = @transform_2, window_bounds = array<i64: 512, 1>}, {transform_indices = @transform_3, window_bounds = array<i64: 1, 16384>}]} {
    %get3A = arith.constant 0 : index
    %get3A_0 = arith.constant 0 : index
    %get3A_1 = vector.load %arg1[%get3A, %get3A_0] : memref<512x32xf32, #tpu.memory_space<vmem>>, vector<512x32xf32>
    %get3A_2 = arith.constant 0 : index
    %get3A_3 = arith.constant 0 : index
    %get3A_4 = vector.load %arg2[%get3A_2, %get3A_3] : memref<32x16384xf32, #tpu.memory_space<vmem>>, vector<32x16384xf32>
    %dot_general3A = arith.constant dense<0.000000e+00> : vector<512x16384xf32>
    %dot_general3A_5 = tpu.matmul %get3A_1, %get3A_4, %dot_general3A {dimension_numbers = #tpu.dot_dimension_numbers<[1], [0], [0], [1], [0, 0, 1, 1], [], []>, transpose_lhs_hint = false} : vector<512x32xf32>, vector<32x16384xf32>, vector<512x16384xf32> -> vector<512x16384xf32>
    %get3A_6 = arith.constant 0 : index
    %get3A_7 = arith.constant 0 : index
    %get3A_8 = vector.load %arg3[%get3A_6, %get3A_7] : memref<512x1xf32, #tpu.memory_space<vmem>>, vector<512x1xf32>
    %add3A = vector.broadcast %get3A_8 : vector<512x1xf32> to vector<512x16384xf32>
    %add3A_9 = arith.addf %dot_general3A_5, %add3A : vector<512x16384xf32>
    %slice3A = vector.extract_strided_slice %add3A_9 {offsets = [0, 0], sizes = [8, 16384], strides = [1, 1]} : vector<512x16384xf32> to vector<8x16384xf32>
    %broadcast_in_dim3A = arith.constant 0.000000e+00 : f32
    %broadcast_in_dim3A_10 = vector.broadcast %broadcast_in_dim3A : f32 to vector<8x16384xf32>
    %slice3A_11 = vector.extract_strided_slice %add3A_9 {offsets = [8, 0], sizes = [8, 16384], strides = [1, 1]} : vector<512x16384xf32> to vector<8x16384xf32>
    %lt3A = arith.cmpf olt, %slice3A_11, %slice3A : vector<8x16384xf32>
    %select_n3A = arith.select %lt3A, %slice3A_11, %slice3A : vector<8x16384xi1>, vector<8x16384xf32>
    %jit3A = arith.constant 1.000000e+00 : f32
    %broadcast_in_dim3A_12 = vector.broadcast %jit3A : f32 to vector<8x16384xf32>
    %select_n3A_13 = arith.select %lt3A, %broadcast_in_dim3A_12, %broadcast_in_dim3A_10 : vector<8x16384xi1>, vector<8x16384xf32>
    %slice3A_14 = vector.extract_strided_slice %add3A_9 {offsets = [16, 0], sizes = [8, 16384], strides = [1, 1]} : vector<512x16384xf32> to vector<8x16384xf32>
    %lt3A_15 = arith.cmpf olt, %slice3A_14, %select_n3A : vector<8x16384xf32>
    %select_n3A_16 = arith.select %lt3A_15, %slice3A_14, %select_n3A : vector<8x16384xi1>, vector<8x16384xf32>
    %jit3A_17 = arith.constant 2.000000e+00 : f32
    %broadcast_in_dim3A_18 = vector.broadcast %jit3A_17 : f32 to vector<8x16384xf32>
    %select_n3A_19 = arith.select %lt3A_15, %broadcast_in_dim3A_18, %select_n3A_13 : vector<8x16384xi1>, vector<8x16384xf32>
    %slice3A_20 = vector.extract_strided_slice %add3A_9 {offsets = [24, 0], sizes = [8, 16384], strides = [1, 1]} : vector<512x16384xf32> to vector<8x16384xf32>
    %lt3A_21 = arith.cmpf olt, %slice3A_20, %select_n3A_16 : vector<8x16384xf32>
    %select_n3A_22 = arith.select %lt3A_21, %slice3A_20, %select_n3A_16 : vector<8x16384xi1>, vector<8x16384xf32>
    %jit3A_23 = arith.constant 3.000000e+00 : f32
    %broadcast_in_dim3A_24 = vector.broadcast %jit3A_23 : f32 to vector<8x16384xf32>
    %select_n3A_25 = arith.select %lt3A_21, %broadcast_in_dim3A_24, %select_n3A_19 : vector<8x16384xi1>, vector<8x16384xf32>
    %slice3A_26 = vector.extract_strided_slice %add3A_9 {offsets = [32, 0], sizes = [8, 16384], strides = [1, 1]} : vector<512x16384xf32> to vector<8x16384xf32>
    %lt3A_27 = arith.cmpf olt, %slice3A_26, %select_n3A_22 : vector<8x16384xf32>
    %select_n3A_28 = arith.select %lt3A_27, %slice3A_26, %select_n3A_22 : vector<8x16384xi1>, vector<8x16384xf32>
    %jit3A_29 = arith.constant 4.000000e+00 : f32
    %broadcast_in_dim3A_30 = vector.broadcast %jit3A_29 : f32 to vector<8x16384xf32>
    %select_n3A_31 = arith.select %lt3A_27, %broadcast_in_dim3A_30, %select_n3A_25 : vector<8x16384xi1>, vector<8x16384xf32>
    %slice3A_32 = vector.extract_strided_slice %add3A_9 {offsets = [40, 0], sizes = [8, 16384], strides = [1, 1]} : vector<512x16384xf32> to vector<8x16384xf32>
    %lt3A_33 = arith.cmpf olt, %slice3A_32, %select_n3A_28 : vector<8x16384xf32>
    %select_n3A_34 = arith.select %lt3A_33, %slice3A_32, %select_n3A_28 : vector<8x16384xi1>, vector<8x16384xf32>
    %jit3A_35 = arith.constant 5.000000e+00 : f32
    %broadcast_in_dim3A_36 = vector.broadcast %jit3A_35 : f32 to vector<8x16384xf32>
    %select_n3A_37 = arith.select %lt3A_33, %broadcast_in_dim3A_36, %select_n3A_31 : vector<8x16384xi1>, vector<8x16384xf32>
    %slice3A_38 = vector.extract_strided_slice %add3A_9 {offsets = [48, 0], sizes = [8, 16384], strides = [1, 1]} : vector<512x16384xf32> to vector<8x16384xf32>
    %lt3A_39 = arith.cmpf olt, %slice3A_38, %select_n3A_34 : vector<8x16384xf32>
    %select_n3A_40 = arith.select %lt3A_39, %slice3A_38, %select_n3A_34 : vector<8x16384xi1>, vector<8x16384xf32>
    %jit3A_41 = arith.constant 6.000000e+00 : f32
    %broadcast_in_dim3A_42 = vector.broadcast %jit3A_41 : f32 to vector<8x16384xf32>
    %select_n3A_43 = arith.select %lt3A_39, %broadcast_in_dim3A_42, %select_n3A_37 : vector<8x16384xi1>, vector<8x16384xf32>
    %slice3A_44 = vector.extract_strided_slice %add3A_9 {offsets = [56, 0], sizes = [8, 16384], strides = [1, 1]} : vector<512x16384xf32> to vector<8x16384xf32>
    %lt3A_45 = arith.cmpf olt, %slice3A_44, %select_n3A_40 : vector<8x16384xf32>
    %select_n3A_46 = arith.select %lt3A_45, %slice3A_44, %select_n3A_40 : vector<8x16384xi1>, vector<8x16384xf32>
    %jit3A_47 = arith.constant 7.000000e+00 : f32
    %broadcast_in_dim3A_48 = vector.broadcast %jit3A_47 : f32 to vector<8x16384xf32>
    %select_n3A_49 = arith.select %lt3A_45, %broadcast_in_dim3A_48, %select_n3A_43 : vector<8x16384xi1>, vector<8x16384xf32>
    %slice3A_50 = vector.extract_strided_slice %add3A_9 {offsets = [64, 0], sizes = [8, 16384], strides = [1, 1]} : vector<512x16384xf32> to vector<8x16384xf32>
    %lt3A_51 = arith.cmpf olt, %slice3A_50, %select_n3A_46 : vector<8x16384xf32>
    %select_n3A_52 = arith.select %lt3A_51, %slice3A_50, %select_n3A_46 : vector<8x16384xi1>, vector<8x16384xf32>
    %jit3A_53 = arith.constant 8.000000e+00 : f32
    %broadcast_in_dim3A_54 = vector.broadcast %jit3A_53 : f32 to vector<8x16384xf32>
    %select_n3A_55 = arith.select %lt3A_51, %broadcast_in_dim3A_54, %select_n3A_49 : vector<8x16384xi1>, vector<8x16384xf32>
    %slice3A_56 = vector.extract_strided_slice %add3A_9 {offsets = [72, 0], sizes = [8, 16384], strides = [1, 1]} : vector<512x16384xf32> to vector<8x16384xf32>
    %lt3A_57 = arith.cmpf olt, %slice3A_56, %select_n3A_52 : vector<8x16384xf32>
    %select_n3A_58 = arith.select %lt3A_57, %slice3A_56, %select_n3A_52 : vector<8x16384xi1>, vector<8x16384xf32>
    %jit3A_59 = arith.constant 9.000000e+00 : f32
    %broadcast_in_dim3A_60 = vector.broadcast %jit3A_59 : f32 to vector<8x16384xf32>
    %select_n3A_61 = arith.select %lt3A_57, %broadcast_in_dim3A_60, %select_n3A_55 : vector<8x16384xi1>, vector<8x16384xf32>
    %slice3A_62 = vector.extract_strided_slice %add3A_9 {offsets = [80, 0], sizes = [8, 16384], strides = [1, 1]} : vector<512x16384xf32> to vector<8x16384xf32>
    %lt3A_63 = arith.cmpf olt, %slice3A_62, %select_n3A_58 : vector<8x16384xf32>
    %select_n3A_64 = arith.select %lt3A_63, %slice3A_62, %select_n3A_58 : vector<8x16384xi1>, vector<8x16384xf32>
    %jit3A_65 = arith.constant 1.000000e+01 : f32
    %broadcast_in_dim3A_66 = vector.broadcast %jit3A_65 : f32 to vector<8x16384xf32>
    %select_n3A_67 = arith.select %lt3A_63, %broadcast_in_dim3A_66, %select_n3A_61 : vector<8x16384xi1>, vector<8x16384xf32>
    %slice3A_68 = vector.extract_strided_slice %add3A_9 {offsets = [88, 0], sizes = [8, 16384], strides = [1, 1]} : vector<512x16384xf32> to vector<8x16384xf32>
    %lt3A_69 = arith.cmpf olt, %slice3A_68, %select_n3A_64 : vector<8x16384xf32>
    %select_n3A_70 = arith.select %lt3A_69, %slice3A_68, %select_n3A_64 : vector<8x16384xi1>, vector<8x16384xf32>
    %jit3A_71 = arith.constant 1.100000e+01 : f32
    %broadcast_in_dim3A_72 = vector.broadcast %jit3A_71 : f32 to vector<8x16384xf32>
    %select_n3A_73 = arith.select %lt3A_69, %broadcast_in_dim3A_72, %select_n3A_67 : vector<8x16384xi1>, vector<8x16384xf32>
    %slice3A_74 = vector.extract_strided_slice %add3A_9 {offsets = [96, 0], sizes = [8, 16384], strides = [1, 1]} : vector<512x16384xf32> to vector<8x16384xf32>
    %lt3A_75 = arith.cmpf olt, %slice3A_74, %select_n3A_70 : vector<8x16384xf32>
    %select_n3A_76 = arith.select %lt3A_75, %slice3A_74, %select_n3A_70 : vector<8x16384xi1>, vector<8x16384xf32>
    %jit3A_77 = arith.constant 1.200000e+01 : f32
    %broadcast_in_dim3A_78 = vector.broadcast %jit3A_77 : f32 to vector<8x16384xf32>
    %select_n3A_79 = arith.select %lt3A_75, %broadcast_in_dim3A_78, %select_n3A_73 : vector<8x16384xi1>, vector<8x16384xf32>
    %slice3A_80 = vector.extract_strided_slice %add3A_9 {offsets = [104, 0], sizes = [8, 16384], strides = [1, 1]} : vector<512x16384xf32> to vector<8x16384xf32>
    %lt3A_81 = arith.cmpf olt, %slice3A_80, %select_n3A_76 : vector<8x16384xf32>
    %select_n3A_82 = arith.select %lt3A_81, %slice3A_80, %select_n3A_76 : vector<8x16384xi1>, vector<8x16384xf32>
    %jit3A_83 = arith.constant 1.300000e+01 : f32
    %broadcast_in_dim3A_84 = vector.broadcast %jit3A_83 : f32 to vector<8x16384xf32>
    %select_n3A_85 = arith.select %lt3A_81, %broadcast_in_dim3A_84, %select_n3A_79 : vector<8x16384xi1>, vector<8x16384xf32>
    %slice3A_86 = vector.extract_strided_slice %add3A_9 {offsets = [112, 0], sizes = [8, 16384], strides = [1, 1]} : vector<512x16384xf32> to vector<8x16384xf32>
    %lt3A_87 = arith.cmpf olt, %slice3A_86, %select_n3A_82 : vector<8x16384xf32>
    %select_n3A_88 = arith.select %lt3A_87, %slice3A_86, %select_n3A_82 : vector<8x16384xi1>, vector<8x16384xf32>
    %jit3A_89 = arith.constant 1.400000e+01 : f32
    %broadcast_in_dim3A_90 = vector.broadcast %jit3A_89 : f32 to vector<8x16384xf32>
    %select_n3A_91 = arith.select %lt3A_87, %broadcast_in_dim3A_90, %select_n3A_85 : vector<8x16384xi1>, vector<8x16384xf32>
    %slice3A_92 = vector.extract_strided_slice %add3A_9 {offsets = [120, 0], sizes = [8, 16384], strides = [1, 1]} : vector<512x16384xf32> to vector<8x16384xf32>
    %lt3A_93 = arith.cmpf olt, %slice3A_92, %select_n3A_88 : vector<8x16384xf32>
    %select_n3A_94 = arith.select %lt3A_93, %slice3A_92, %select_n3A_88 : vector<8x16384xi1>, vector<8x16384xf32>
    %jit3A_95 = arith.constant 1.500000e+01 : f32
    %broadcast_in_dim3A_96 = vector.broadcast %jit3A_95 : f32 to vector<8x16384xf32>
    %select_n3A_97 = arith.select %lt3A_93, %broadcast_in_dim3A_96, %select_n3A_91 : vector<8x16384xi1>, vector<8x16384xf32>
    %slice3A_98 = vector.extract_strided_slice %add3A_9 {offsets = [128, 0], sizes = [8, 16384], strides = [1, 1]} : vector<512x16384xf32> to vector<8x16384xf32>
    %lt3A_99 = arith.cmpf olt, %slice3A_98, %select_n3A_94 : vector<8x16384xf32>
    %select_n3A_100 = arith.select %lt3A_99, %slice3A_98, %select_n3A_94 : vector<8x16384xi1>, vector<8x16384xf32>
    %jit3A_101 = arith.constant 1.600000e+01 : f32
    %broadcast_in_dim3A_102 = vector.broadcast %jit3A_101 : f32 to vector<8x16384xf32>
    %select_n3A_103 = arith.select %lt3A_99, %broadcast_in_dim3A_102, %select_n3A_97 : vector<8x16384xi1>, vector<8x16384xf32>
    %slice3A_104 = vector.extract_strided_slice %add3A_9 {offsets = [136, 0], sizes = [8, 16384], strides = [1, 1]} : vector<512x16384xf32> to vector<8x16384xf32>
    %lt3A_105 = arith.cmpf olt, %slice3A_104, %select_n3A_100 : vector<8x16384xf32>
    %select_n3A_106 = arith.select %lt3A_105, %slice3A_104, %select_n3A_100 : vector<8x16384xi1>, vector<8x16384xf32>
    %jit3A_107 = arith.constant 1.700000e+01 : f32
    %broadcast_in_dim3A_108 = vector.broadcast %jit3A_107 : f32 to vector<8x16384xf32>
    %select_n3A_109 = arith.select %lt3A_105, %broadcast_in_dim3A_108, %select_n3A_103 : vector<8x16384xi1>, vector<8x16384xf32>
    %slice3A_110 = vector.extract_strided_slice %add3A_9 {offsets = [144, 0], sizes = [8, 16384], strides = [1, 1]} : vector<512x16384xf32> to vector<8x16384xf32>
    %lt3A_111 = arith.cmpf olt, %slice3A_110, %select_n3A_106 : vector<8x16384xf32>
    %select_n3A_112 = arith.select %lt3A_111, %slice3A_110, %select_n3A_106 : vector<8x16384xi1>, vector<8x16384xf32>
    %jit3A_113 = arith.constant 1.800000e+01 : f32
    %broadcast_in_dim3A_114 = vector.broadcast %jit3A_113 : f32 to vector<8x16384xf32>
    %select_n3A_115 = arith.select %lt3A_111, %broadcast_in_dim3A_114, %select_n3A_109 : vector<8x16384xi1>, vector<8x16384xf32>
    %slice3A_116 = vector.extract_strided_slice %add3A_9 {offsets = [152, 0], sizes = [8, 16384], strides = [1, 1]} : vector<512x16384xf32> to vector<8x16384xf32>
    %lt3A_117 = arith.cmpf olt, %slice3A_116, %select_n3A_112 : vector<8x16384xf32>
    %select_n3A_118 = arith.select %lt3A_117, %slice3A_116, %select_n3A_112 : vector<8x16384xi1>, vector<8x16384xf32>
    %jit3A_119 = arith.constant 1.900000e+01 : f32
    %broadcast_in_dim3A_120 = vector.broadcast %jit3A_119 : f32 to vector<8x16384xf32>
    %select_n3A_121 = arith.select %lt3A_117, %broadcast_in_dim3A_120, %select_n3A_115 : vector<8x16384xi1>, vector<8x16384xf32>
    %slice3A_122 = vector.extract_strided_slice %add3A_9 {offsets = [160, 0], sizes = [8, 16384], strides = [1, 1]} : vector<512x16384xf32> to vector<8x16384xf32>
    %lt3A_123 = arith.cmpf olt, %slice3A_122, %select_n3A_118 : vector<8x16384xf32>
    %select_n3A_124 = arith.select %lt3A_123, %slice3A_122, %select_n3A_118 : vector<8x16384xi1>, vector<8x16384xf32>
    %jit3A_125 = arith.constant 2.000000e+01 : f32
    %broadcast_in_dim3A_126 = vector.broadcast %jit3A_125 : f32 to vector<8x16384xf32>
    %select_n3A_127 = arith.select %lt3A_123, %broadcast_in_dim3A_126, %select_n3A_121 : vector<8x16384xi1>, vector<8x16384xf32>
    %slice3A_128 = vector.extract_strided_slice %add3A_9 {offsets = [168, 0], sizes = [8, 16384], strides = [1, 1]} : vector<512x16384xf32> to vector<8x16384xf32>
    %lt3A_129 = arith.cmpf olt, %slice3A_128, %select_n3A_124 : vector<8x16384xf32>
    %select_n3A_130 = arith.select %lt3A_129, %slice3A_128, %select_n3A_124 : vector<8x16384xi1>, vector<8x16384xf32>
    %jit3A_131 = arith.constant 2.100000e+01 : f32
    %broadcast_in_dim3A_132 = vector.broadcast %jit3A_131 : f32 to vector<8x16384xf32>
    %select_n3A_133 = arith.select %lt3A_129, %broadcast_in_dim3A_132, %select_n3A_127 : vector<8x16384xi1>, vector<8x16384xf32>
    %slice3A_134 = vector.extract_strided_slice %add3A_9 {offsets = [176, 0], sizes = [8, 16384], strides = [1, 1]} : vector<512x16384xf32> to vector<8x16384xf32>
    %lt3A_135 = arith.cmpf olt, %slice3A_134, %select_n3A_130 : vector<8x16384xf32>
    %select_n3A_136 = arith.select %lt3A_135, %slice3A_134, %select_n3A_130 : vector<8x16384xi1>, vector<8x16384xf32>
    %jit3A_137 = arith.constant 2.200000e+01 : f32
    %broadcast_in_dim3A_138 = vector.broadcast %jit3A_137 : f32 to vector<8x16384xf32>
    %select_n3A_139 = arith.select %lt3A_135, %broadcast_in_dim3A_138, %select_n3A_133 : vector<8x16384xi1>, vector<8x16384xf32>
    %slice3A_140 = vector.extract_strided_slice %add3A_9 {offsets = [184, 0], sizes = [8, 16384], strides = [1, 1]} : vector<512x16384xf32> to vector<8x16384xf32>
    %lt3A_141 = arith.cmpf olt, %slice3A_140, %select_n3A_136 : vector<8x16384xf32>
    %select_n3A_142 = arith.select %lt3A_141, %slice3A_140, %select_n3A_136 : vector<8x16384xi1>, vector<8x16384xf32>
    %jit3A_143 = arith.constant 2.300000e+01 : f32
    %broadcast_in_dim3A_144 = vector.broadcast %jit3A_143 : f32 to vector<8x16384xf32>
    %select_n3A_145 = arith.select %lt3A_141, %broadcast_in_dim3A_144, %select_n3A_139 : vector<8x16384xi1>, vector<8x16384xf32>
    %slice3A_146 = vector.extract_strided_slice %add3A_9 {offsets = [192, 0], sizes = [8, 16384], strides = [1, 1]} : vector<512x16384xf32> to vector<8x16384xf32>
    %lt3A_147 = arith.cmpf olt, %slice3A_146, %select_n3A_142 : vector<8x16384xf32>
    %select_n3A_148 = arith.select %lt3A_147, %slice3A_146, %select_n3A_142 : vector<8x16384xi1>, vector<8x16384xf32>
    %jit3A_149 = arith.constant 2.400000e+01 : f32
    %broadcast_in_dim3A_150 = vector.broadcast %jit3A_149 : f32 to vector<8x16384xf32>
    %select_n3A_151 = arith.select %lt3A_147, %broadcast_in_dim3A_150, %select_n3A_145 : vector<8x16384xi1>, vector<8x16384xf32>
    %slice3A_152 = vector.extract_strided_slice %add3A_9 {offsets = [200, 0], sizes = [8, 16384], strides = [1, 1]} : vector<512x16384xf32> to vector<8x16384xf32>
    %lt3A_153 = arith.cmpf olt, %slice3A_152, %select_n3A_148 : vector<8x16384xf32>
    %select_n3A_154 = arith.select %lt3A_153, %slice3A_152, %select_n3A_148 : vector<8x16384xi1>, vector<8x16384xf32>
    %jit3A_155 = arith.constant 2.500000e+01 : f32
    %broadcast_in_dim3A_156 = vector.broadcast %jit3A_155 : f32 to vector<8x16384xf32>
    %select_n3A_157 = arith.select %lt3A_153, %broadcast_in_dim3A_156, %select_n3A_151 : vector<8x16384xi1>, vector<8x16384xf32>
    %slice3A_158 = vector.extract_strided_slice %add3A_9 {offsets = [208, 0], sizes = [8, 16384], strides = [1, 1]} : vector<512x16384xf32> to vector<8x16384xf32>
    %lt3A_159 = arith.cmpf olt, %slice3A_158, %select_n3A_154 : vector<8x16384xf32>
    %select_n3A_160 = arith.select %lt3A_159, %slice3A_158, %select_n3A_154 : vector<8x16384xi1>, vector<8x16384xf32>
    %jit3A_161 = arith.constant 2.600000e+01 : f32
    %broadcast_in_dim3A_162 = vector.broadcast %jit3A_161 : f32 to vector<8x16384xf32>
    %select_n3A_163 = arith.select %lt3A_159, %broadcast_in_dim3A_162, %select_n3A_157 : vector<8x16384xi1>, vector<8x16384xf32>
    %slice3A_164 = vector.extract_strided_slice %add3A_9 {offsets = [216, 0], sizes = [8, 16384], strides = [1, 1]} : vector<512x16384xf32> to vector<8x16384xf32>
    %lt3A_165 = arith.cmpf olt, %slice3A_164, %select_n3A_160 : vector<8x16384xf32>
    %select_n3A_166 = arith.select %lt3A_165, %slice3A_164, %select_n3A_160 : vector<8x16384xi1>, vector<8x16384xf32>
    %jit3A_167 = arith.constant 2.700000e+01 : f32
    %broadcast_in_dim3A_168 = vector.broadcast %jit3A_167 : f32 to vector<8x16384xf32>
    %select_n3A_169 = arith.select %lt3A_165, %broadcast_in_dim3A_168, %select_n3A_163 : vector<8x16384xi1>, vector<8x16384xf32>
    %slice3A_170 = vector.extract_strided_slice %add3A_9 {offsets = [224, 0], sizes = [8, 16384], strides = [1, 1]} : vector<512x16384xf32> to vector<8x16384xf32>
    %lt3A_171 = arith.cmpf olt, %slice3A_170, %select_n3A_166 : vector<8x16384xf32>
    %select_n3A_172 = arith.select %lt3A_171, %slice3A_170, %select_n3A_166 : vector<8x16384xi1>, vector<8x16384xf32>
    %jit3A_173 = arith.constant 2.800000e+01 : f32
    %broadcast_in_dim3A_174 = vector.broadcast %jit3A_173 : f32 to vector<8x16384xf32>
    %select_n3A_175 = arith.select %lt3A_171, %broadcast_in_dim3A_174, %select_n3A_169 : vector<8x16384xi1>, vector<8x16384xf32>
    %slice3A_176 = vector.extract_strided_slice %add3A_9 {offsets = [232, 0], sizes = [8, 16384], strides = [1, 1]} : vector<512x16384xf32> to vector<8x16384xf32>
    %lt3A_177 = arith.cmpf olt, %slice3A_176, %select_n3A_172 : vector<8x16384xf32>
    %select_n3A_178 = arith.select %lt3A_177, %slice3A_176, %select_n3A_172 : vector<8x16384xi1>, vector<8x16384xf32>
    %jit3A_179 = arith.constant 2.900000e+01 : f32
    %broadcast_in_dim3A_180 = vector.broadcast %jit3A_179 : f32 to vector<8x16384xf32>
    %select_n3A_181 = arith.select %lt3A_177, %broadcast_in_dim3A_180, %select_n3A_175 : vector<8x16384xi1>, vector<8x16384xf32>
    %slice3A_182 = vector.extract_strided_slice %add3A_9 {offsets = [240, 0], sizes = [8, 16384], strides = [1, 1]} : vector<512x16384xf32> to vector<8x16384xf32>
    %lt3A_183 = arith.cmpf olt, %slice3A_182, %select_n3A_178 : vector<8x16384xf32>
    %select_n3A_184 = arith.select %lt3A_183, %slice3A_182, %select_n3A_178 : vector<8x16384xi1>, vector<8x16384xf32>
    %jit3A_185 = arith.constant 3.000000e+01 : f32
    %broadcast_in_dim3A_186 = vector.broadcast %jit3A_185 : f32 to vector<8x16384xf32>
    %select_n3A_187 = arith.select %lt3A_183, %broadcast_in_dim3A_186, %select_n3A_181 : vector<8x16384xi1>, vector<8x16384xf32>
    %slice3A_188 = vector.extract_strided_slice %add3A_9 {offsets = [248, 0], sizes = [8, 16384], strides = [1, 1]} : vector<512x16384xf32> to vector<8x16384xf32>
    %lt3A_189 = arith.cmpf olt, %slice3A_188, %select_n3A_184 : vector<8x16384xf32>
    %select_n3A_190 = arith.select %lt3A_189, %slice3A_188, %select_n3A_184 : vector<8x16384xi1>, vector<8x16384xf32>
    %jit3A_191 = arith.constant 3.100000e+01 : f32
    %broadcast_in_dim3A_192 = vector.broadcast %jit3A_191 : f32 to vector<8x16384xf32>
    %select_n3A_193 = arith.select %lt3A_189, %broadcast_in_dim3A_192, %select_n3A_187 : vector<8x16384xi1>, vector<8x16384xf32>
    %slice3A_194 = vector.extract_strided_slice %add3A_9 {offsets = [256, 0], sizes = [8, 16384], strides = [1, 1]} : vector<512x16384xf32> to vector<8x16384xf32>
    %lt3A_195 = arith.cmpf olt, %slice3A_194, %select_n3A_190 : vector<8x16384xf32>
    %select_n3A_196 = arith.select %lt3A_195, %slice3A_194, %select_n3A_190 : vector<8x16384xi1>, vector<8x16384xf32>
    %jit3A_197 = arith.constant 3.200000e+01 : f32
    %broadcast_in_dim3A_198 = vector.broadcast %jit3A_197 : f32 to vector<8x16384xf32>
    %select_n3A_199 = arith.select %lt3A_195, %broadcast_in_dim3A_198, %select_n3A_193 : vector<8x16384xi1>, vector<8x16384xf32>
    %slice3A_200 = vector.extract_strided_slice %add3A_9 {offsets = [264, 0], sizes = [8, 16384], strides = [1, 1]} : vector<512x16384xf32> to vector<8x16384xf32>
    %lt3A_201 = arith.cmpf olt, %slice3A_200, %select_n3A_196 : vector<8x16384xf32>
    %select_n3A_202 = arith.select %lt3A_201, %slice3A_200, %select_n3A_196 : vector<8x16384xi1>, vector<8x16384xf32>
    %jit3A_203 = arith.constant 3.300000e+01 : f32
    %broadcast_in_dim3A_204 = vector.broadcast %jit3A_203 : f32 to vector<8x16384xf32>
    %select_n3A_205 = arith.select %lt3A_201, %broadcast_in_dim3A_204, %select_n3A_199 : vector<8x16384xi1>, vector<8x16384xf32>
    %slice3A_206 = vector.extract_strided_slice %add3A_9 {offsets = [272, 0], sizes = [8, 16384], strides = [1, 1]} : vector<512x16384xf32> to vector<8x16384xf32>
    %lt3A_207 = arith.cmpf olt, %slice3A_206, %select_n3A_202 : vector<8x16384xf32>
    %select_n3A_208 = arith.select %lt3A_207, %slice3A_206, %select_n3A_202 : vector<8x16384xi1>, vector<8x16384xf32>
    %jit3A_209 = arith.constant 3.400000e+01 : f32
    %broadcast_in_dim3A_210 = vector.broadcast %jit3A_209 : f32 to vector<8x16384xf32>
    %select_n3A_211 = arith.select %lt3A_207, %broadcast_in_dim3A_210, %select_n3A_205 : vector<8x16384xi1>, vector<8x16384xf32>
    %slice3A_212 = vector.extract_strided_slice %add3A_9 {offsets = [280, 0], sizes = [8, 16384], strides = [1, 1]} : vector<512x16384xf32> to vector<8x16384xf32>
    %lt3A_213 = arith.cmpf olt, %slice3A_212, %select_n3A_208 : vector<8x16384xf32>
    %select_n3A_214 = arith.select %lt3A_213, %slice3A_212, %select_n3A_208 : vector<8x16384xi1>, vector<8x16384xf32>
    %jit3A_215 = arith.constant 3.500000e+01 : f32
    %broadcast_in_dim3A_216 = vector.broadcast %jit3A_215 : f32 to vector<8x16384xf32>
    %select_n3A_217 = arith.select %lt3A_213, %broadcast_in_dim3A_216, %select_n3A_211 : vector<8x16384xi1>, vector<8x16384xf32>
    %slice3A_218 = vector.extract_strided_slice %add3A_9 {offsets = [288, 0], sizes = [8, 16384], strides = [1, 1]} : vector<512x16384xf32> to vector<8x16384xf32>
    %lt3A_219 = arith.cmpf olt, %slice3A_218, %select_n3A_214 : vector<8x16384xf32>
    %select_n3A_220 = arith.select %lt3A_219, %slice3A_218, %select_n3A_214 : vector<8x16384xi1>, vector<8x16384xf32>
    %jit3A_221 = arith.constant 3.600000e+01 : f32
    %broadcast_in_dim3A_222 = vector.broadcast %jit3A_221 : f32 to vector<8x16384xf32>
    %select_n3A_223 = arith.select %lt3A_219, %broadcast_in_dim3A_222, %select_n3A_217 : vector<8x16384xi1>, vector<8x16384xf32>
    %slice3A_224 = vector.extract_strided_slice %add3A_9 {offsets = [296, 0], sizes = [8, 16384], strides = [1, 1]} : vector<512x16384xf32> to vector<8x16384xf32>
    %lt3A_225 = arith.cmpf olt, %slice3A_224, %select_n3A_220 : vector<8x16384xf32>
    %select_n3A_226 = arith.select %lt3A_225, %slice3A_224, %select_n3A_220 : vector<8x16384xi1>, vector<8x16384xf32>
    %jit3A_227 = arith.constant 3.700000e+01 : f32
    %broadcast_in_dim3A_228 = vector.broadcast %jit3A_227 : f32 to vector<8x16384xf32>
    %select_n3A_229 = arith.select %lt3A_225, %broadcast_in_dim3A_228, %select_n3A_223 : vector<8x16384xi1>, vector<8x16384xf32>
    %slice3A_230 = vector.extract_strided_slice %add3A_9 {offsets = [304, 0], sizes = [8, 16384], strides = [1, 1]} : vector<512x16384xf32> to vector<8x16384xf32>
    %lt3A_231 = arith.cmpf olt, %slice3A_230, %select_n3A_226 : vector<8x16384xf32>
    %select_n3A_232 = arith.select %lt3A_231, %slice3A_230, %select_n3A_226 : vector<8x16384xi1>, vector<8x16384xf32>
    %jit3A_233 = arith.constant 3.800000e+01 : f32
    %broadcast_in_dim3A_234 = vector.broadcast %jit3A_233 : f32 to vector<8x16384xf32>
    %select_n3A_235 = arith.select %lt3A_231, %broadcast_in_dim3A_234, %select_n3A_229 : vector<8x16384xi1>, vector<8x16384xf32>
    %slice3A_236 = vector.extract_strided_slice %add3A_9 {offsets = [312, 0], sizes = [8, 16384], strides = [1, 1]} : vector<512x16384xf32> to vector<8x16384xf32>
    %lt3A_237 = arith.cmpf olt, %slice3A_236, %select_n3A_232 : vector<8x16384xf32>
    %select_n3A_238 = arith.select %lt3A_237, %slice3A_236, %select_n3A_232 : vector<8x16384xi1>, vector<8x16384xf32>
    %jit3A_239 = arith.constant 3.900000e+01 : f32
    %broadcast_in_dim3A_240 = vector.broadcast %jit3A_239 : f32 to vector<8x16384xf32>
    %select_n3A_241 = arith.select %lt3A_237, %broadcast_in_dim3A_240, %select_n3A_235 : vector<8x16384xi1>, vector<8x16384xf32>
    %slice3A_242 = vector.extract_strided_slice %add3A_9 {offsets = [320, 0], sizes = [8, 16384], strides = [1, 1]} : vector<512x16384xf32> to vector<8x16384xf32>
    %lt3A_243 = arith.cmpf olt, %slice3A_242, %select_n3A_238 : vector<8x16384xf32>
    %select_n3A_244 = arith.select %lt3A_243, %slice3A_242, %select_n3A_238 : vector<8x16384xi1>, vector<8x16384xf32>
    %jit3A_245 = arith.constant 4.000000e+01 : f32
    %broadcast_in_dim3A_246 = vector.broadcast %jit3A_245 : f32 to vector<8x16384xf32>
    %select_n3A_247 = arith.select %lt3A_243, %broadcast_in_dim3A_246, %select_n3A_241 : vector<8x16384xi1>, vector<8x16384xf32>
    %slice3A_248 = vector.extract_strided_slice %add3A_9 {offsets = [328, 0], sizes = [8, 16384], strides = [1, 1]} : vector<512x16384xf32> to vector<8x16384xf32>
    %lt3A_249 = arith.cmpf olt, %slice3A_248, %select_n3A_244 : vector<8x16384xf32>
    %select_n3A_250 = arith.select %lt3A_249, %slice3A_248, %select_n3A_244 : vector<8x16384xi1>, vector<8x16384xf32>
    %jit3A_251 = arith.constant 4.100000e+01 : f32
    %broadcast_in_dim3A_252 = vector.broadcast %jit3A_251 : f32 to vector<8x16384xf32>
    %select_n3A_253 = arith.select %lt3A_249, %broadcast_in_dim3A_252, %select_n3A_247 : vector<8x16384xi1>, vector<8x16384xf32>
    %slice3A_254 = vector.extract_strided_slice %add3A_9 {offsets = [336, 0], sizes = [8, 16384], strides = [1, 1]} : vector<512x16384xf32> to vector<8x16384xf32>
    %lt3A_255 = arith.cmpf olt, %slice3A_254, %select_n3A_250 : vector<8x16384xf32>
    %select_n3A_256 = arith.select %lt3A_255, %slice3A_254, %select_n3A_250 : vector<8x16384xi1>, vector<8x16384xf32>
    %jit3A_257 = arith.constant 4.200000e+01 : f32
    %broadcast_in_dim3A_258 = vector.broadcast %jit3A_257 : f32 to vector<8x16384xf32>
    %select_n3A_259 = arith.select %lt3A_255, %broadcast_in_dim3A_258, %select_n3A_253 : vector<8x16384xi1>, vector<8x16384xf32>
    %slice3A_260 = vector.extract_strided_slice %add3A_9 {offsets = [344, 0], sizes = [8, 16384], strides = [1, 1]} : vector<512x16384xf32> to vector<8x16384xf32>
    %lt3A_261 = arith.cmpf olt, %slice3A_260, %select_n3A_256 : vector<8x16384xf32>
    %select_n3A_262 = arith.select %lt3A_261, %slice3A_260, %select_n3A_256 : vector<8x16384xi1>, vector<8x16384xf32>
    %jit3A_263 = arith.constant 4.300000e+01 : f32
    %broadcast_in_dim3A_264 = vector.broadcast %jit3A_263 : f32 to vector<8x16384xf32>
    %select_n3A_265 = arith.select %lt3A_261, %broadcast_in_dim3A_264, %select_n3A_259 : vector<8x16384xi1>, vector<8x16384xf32>
    %slice3A_266 = vector.extract_strided_slice %add3A_9 {offsets = [352, 0], sizes = [8, 16384], strides = [1, 1]} : vector<512x16384xf32> to vector<8x16384xf32>
    %lt3A_267 = arith.cmpf olt, %slice3A_266, %select_n3A_262 : vector<8x16384xf32>
    %select_n3A_268 = arith.select %lt3A_267, %slice3A_266, %select_n3A_262 : vector<8x16384xi1>, vector<8x16384xf32>
    %jit3A_269 = arith.constant 4.400000e+01 : f32
    %broadcast_in_dim3A_270 = vector.broadcast %jit3A_269 : f32 to vector<8x16384xf32>
    %select_n3A_271 = arith.select %lt3A_267, %broadcast_in_dim3A_270, %select_n3A_265 : vector<8x16384xi1>, vector<8x16384xf32>
    %slice3A_272 = vector.extract_strided_slice %add3A_9 {offsets = [360, 0], sizes = [8, 16384], strides = [1, 1]} : vector<512x16384xf32> to vector<8x16384xf32>
    %lt3A_273 = arith.cmpf olt, %slice3A_272, %select_n3A_268 : vector<8x16384xf32>
    %select_n3A_274 = arith.select %lt3A_273, %slice3A_272, %select_n3A_268 : vector<8x16384xi1>, vector<8x16384xf32>
    %jit3A_275 = arith.constant 4.500000e+01 : f32
    %broadcast_in_dim3A_276 = vector.broadcast %jit3A_275 : f32 to vector<8x16384xf32>
    %select_n3A_277 = arith.select %lt3A_273, %broadcast_in_dim3A_276, %select_n3A_271 : vector<8x16384xi1>, vector<8x16384xf32>
    %slice3A_278 = vector.extract_strided_slice %add3A_9 {offsets = [368, 0], sizes = [8, 16384], strides = [1, 1]} : vector<512x16384xf32> to vector<8x16384xf32>
    %lt3A_279 = arith.cmpf olt, %slice3A_278, %select_n3A_274 : vector<8x16384xf32>
    %select_n3A_280 = arith.select %lt3A_279, %slice3A_278, %select_n3A_274 : vector<8x16384xi1>, vector<8x16384xf32>
    %jit3A_281 = arith.constant 4.600000e+01 : f32
    %broadcast_in_dim3A_282 = vector.broadcast %jit3A_281 : f32 to vector<8x16384xf32>
    %select_n3A_283 = arith.select %lt3A_279, %broadcast_in_dim3A_282, %select_n3A_277 : vector<8x16384xi1>, vector<8x16384xf32>
    %slice3A_284 = vector.extract_strided_slice %add3A_9 {offsets = [376, 0], sizes = [8, 16384], strides = [1, 1]} : vector<512x16384xf32> to vector<8x16384xf32>
    %lt3A_285 = arith.cmpf olt, %slice3A_284, %select_n3A_280 : vector<8x16384xf32>
    %select_n3A_286 = arith.select %lt3A_285, %slice3A_284, %select_n3A_280 : vector<8x16384xi1>, vector<8x16384xf32>
    %jit3A_287 = arith.constant 4.700000e+01 : f32
    %broadcast_in_dim3A_288 = vector.broadcast %jit3A_287 : f32 to vector<8x16384xf32>
    %select_n3A_289 = arith.select %lt3A_285, %broadcast_in_dim3A_288, %select_n3A_283 : vector<8x16384xi1>, vector<8x16384xf32>
    %slice3A_290 = vector.extract_strided_slice %add3A_9 {offsets = [384, 0], sizes = [8, 16384], strides = [1, 1]} : vector<512x16384xf32> to vector<8x16384xf32>
    %lt3A_291 = arith.cmpf olt, %slice3A_290, %select_n3A_286 : vector<8x16384xf32>
    %select_n3A_292 = arith.select %lt3A_291, %slice3A_290, %select_n3A_286 : vector<8x16384xi1>, vector<8x16384xf32>
    %jit3A_293 = arith.constant 4.800000e+01 : f32
    %broadcast_in_dim3A_294 = vector.broadcast %jit3A_293 : f32 to vector<8x16384xf32>
    %select_n3A_295 = arith.select %lt3A_291, %broadcast_in_dim3A_294, %select_n3A_289 : vector<8x16384xi1>, vector<8x16384xf32>
    %slice3A_296 = vector.extract_strided_slice %add3A_9 {offsets = [392, 0], sizes = [8, 16384], strides = [1, 1]} : vector<512x16384xf32> to vector<8x16384xf32>
    %lt3A_297 = arith.cmpf olt, %slice3A_296, %select_n3A_292 : vector<8x16384xf32>
    %select_n3A_298 = arith.select %lt3A_297, %slice3A_296, %select_n3A_292 : vector<8x16384xi1>, vector<8x16384xf32>
    %jit3A_299 = arith.constant 4.900000e+01 : f32
    %broadcast_in_dim3A_300 = vector.broadcast %jit3A_299 : f32 to vector<8x16384xf32>
    %select_n3A_301 = arith.select %lt3A_297, %broadcast_in_dim3A_300, %select_n3A_295 : vector<8x16384xi1>, vector<8x16384xf32>
    %slice3A_302 = vector.extract_strided_slice %add3A_9 {offsets = [400, 0], sizes = [8, 16384], strides = [1, 1]} : vector<512x16384xf32> to vector<8x16384xf32>
    %lt3A_303 = arith.cmpf olt, %slice3A_302, %select_n3A_298 : vector<8x16384xf32>
    %select_n3A_304 = arith.select %lt3A_303, %slice3A_302, %select_n3A_298 : vector<8x16384xi1>, vector<8x16384xf32>
    %jit3A_305 = arith.constant 5.000000e+01 : f32
    %broadcast_in_dim3A_306 = vector.broadcast %jit3A_305 : f32 to vector<8x16384xf32>
    %select_n3A_307 = arith.select %lt3A_303, %broadcast_in_dim3A_306, %select_n3A_301 : vector<8x16384xi1>, vector<8x16384xf32>
    %slice3A_308 = vector.extract_strided_slice %add3A_9 {offsets = [408, 0], sizes = [8, 16384], strides = [1, 1]} : vector<512x16384xf32> to vector<8x16384xf32>
    %lt3A_309 = arith.cmpf olt, %slice3A_308, %select_n3A_304 : vector<8x16384xf32>
    %select_n3A_310 = arith.select %lt3A_309, %slice3A_308, %select_n3A_304 : vector<8x16384xi1>, vector<8x16384xf32>
    %jit3A_311 = arith.constant 5.100000e+01 : f32
    %broadcast_in_dim3A_312 = vector.broadcast %jit3A_311 : f32 to vector<8x16384xf32>
    %select_n3A_313 = arith.select %lt3A_309, %broadcast_in_dim3A_312, %select_n3A_307 : vector<8x16384xi1>, vector<8x16384xf32>
    %slice3A_314 = vector.extract_strided_slice %add3A_9 {offsets = [416, 0], sizes = [8, 16384], strides = [1, 1]} : vector<512x16384xf32> to vector<8x16384xf32>
    %lt3A_315 = arith.cmpf olt, %slice3A_314, %select_n3A_310 : vector<8x16384xf32>
    %select_n3A_316 = arith.select %lt3A_315, %slice3A_314, %select_n3A_310 : vector<8x16384xi1>, vector<8x16384xf32>
    %jit3A_317 = arith.constant 5.200000e+01 : f32
    %broadcast_in_dim3A_318 = vector.broadcast %jit3A_317 : f32 to vector<8x16384xf32>
    %select_n3A_319 = arith.select %lt3A_315, %broadcast_in_dim3A_318, %select_n3A_313 : vector<8x16384xi1>, vector<8x16384xf32>
    %slice3A_320 = vector.extract_strided_slice %add3A_9 {offsets = [424, 0], sizes = [8, 16384], strides = [1, 1]} : vector<512x16384xf32> to vector<8x16384xf32>
    %lt3A_321 = arith.cmpf olt, %slice3A_320, %select_n3A_316 : vector<8x16384xf32>
    %select_n3A_322 = arith.select %lt3A_321, %slice3A_320, %select_n3A_316 : vector<8x16384xi1>, vector<8x16384xf32>
    %jit3A_323 = arith.constant 5.300000e+01 : f32
    %broadcast_in_dim3A_324 = vector.broadcast %jit3A_323 : f32 to vector<8x16384xf32>
    %select_n3A_325 = arith.select %lt3A_321, %broadcast_in_dim3A_324, %select_n3A_319 : vector<8x16384xi1>, vector<8x16384xf32>
    %slice3A_326 = vector.extract_strided_slice %add3A_9 {offsets = [432, 0], sizes = [8, 16384], strides = [1, 1]} : vector<512x16384xf32> to vector<8x16384xf32>
    %lt3A_327 = arith.cmpf olt, %slice3A_326, %select_n3A_322 : vector<8x16384xf32>
    %select_n3A_328 = arith.select %lt3A_327, %slice3A_326, %select_n3A_322 : vector<8x16384xi1>, vector<8x16384xf32>
    %jit3A_329 = arith.constant 5.400000e+01 : f32
    %broadcast_in_dim3A_330 = vector.broadcast %jit3A_329 : f32 to vector<8x16384xf32>
    %select_n3A_331 = arith.select %lt3A_327, %broadcast_in_dim3A_330, %select_n3A_325 : vector<8x16384xi1>, vector<8x16384xf32>
    %slice3A_332 = vector.extract_strided_slice %add3A_9 {offsets = [440, 0], sizes = [8, 16384], strides = [1, 1]} : vector<512x16384xf32> to vector<8x16384xf32>
    %lt3A_333 = arith.cmpf olt, %slice3A_332, %select_n3A_328 : vector<8x16384xf32>
    %select_n3A_334 = arith.select %lt3A_333, %slice3A_332, %select_n3A_328 : vector<8x16384xi1>, vector<8x16384xf32>
    %jit3A_335 = arith.constant 5.500000e+01 : f32
    %broadcast_in_dim3A_336 = vector.broadcast %jit3A_335 : f32 to vector<8x16384xf32>
    %select_n3A_337 = arith.select %lt3A_333, %broadcast_in_dim3A_336, %select_n3A_331 : vector<8x16384xi1>, vector<8x16384xf32>
    %slice3A_338 = vector.extract_strided_slice %add3A_9 {offsets = [448, 0], sizes = [8, 16384], strides = [1, 1]} : vector<512x16384xf32> to vector<8x16384xf32>
    %lt3A_339 = arith.cmpf olt, %slice3A_338, %select_n3A_334 : vector<8x16384xf32>
    %select_n3A_340 = arith.select %lt3A_339, %slice3A_338, %select_n3A_334 : vector<8x16384xi1>, vector<8x16384xf32>
    %jit3A_341 = arith.constant 5.600000e+01 : f32
    %broadcast_in_dim3A_342 = vector.broadcast %jit3A_341 : f32 to vector<8x16384xf32>
    %select_n3A_343 = arith.select %lt3A_339, %broadcast_in_dim3A_342, %select_n3A_337 : vector<8x16384xi1>, vector<8x16384xf32>
    %slice3A_344 = vector.extract_strided_slice %add3A_9 {offsets = [456, 0], sizes = [8, 16384], strides = [1, 1]} : vector<512x16384xf32> to vector<8x16384xf32>
    %lt3A_345 = arith.cmpf olt, %slice3A_344, %select_n3A_340 : vector<8x16384xf32>
    %select_n3A_346 = arith.select %lt3A_345, %slice3A_344, %select_n3A_340 : vector<8x16384xi1>, vector<8x16384xf32>
    %jit3A_347 = arith.constant 5.700000e+01 : f32
    %broadcast_in_dim3A_348 = vector.broadcast %jit3A_347 : f32 to vector<8x16384xf32>
    %select_n3A_349 = arith.select %lt3A_345, %broadcast_in_dim3A_348, %select_n3A_343 : vector<8x16384xi1>, vector<8x16384xf32>
    %slice3A_350 = vector.extract_strided_slice %add3A_9 {offsets = [464, 0], sizes = [8, 16384], strides = [1, 1]} : vector<512x16384xf32> to vector<8x16384xf32>
    %lt3A_351 = arith.cmpf olt, %slice3A_350, %select_n3A_346 : vector<8x16384xf32>
    %select_n3A_352 = arith.select %lt3A_351, %slice3A_350, %select_n3A_346 : vector<8x16384xi1>, vector<8x16384xf32>
    %jit3A_353 = arith.constant 5.800000e+01 : f32
    %broadcast_in_dim3A_354 = vector.broadcast %jit3A_353 : f32 to vector<8x16384xf32>
    %select_n3A_355 = arith.select %lt3A_351, %broadcast_in_dim3A_354, %select_n3A_349 : vector<8x16384xi1>, vector<8x16384xf32>
    %slice3A_356 = vector.extract_strided_slice %add3A_9 {offsets = [472, 0], sizes = [8, 16384], strides = [1, 1]} : vector<512x16384xf32> to vector<8x16384xf32>
    %lt3A_357 = arith.cmpf olt, %slice3A_356, %select_n3A_352 : vector<8x16384xf32>
    %select_n3A_358 = arith.select %lt3A_357, %slice3A_356, %select_n3A_352 : vector<8x16384xi1>, vector<8x16384xf32>
    %jit3A_359 = arith.constant 5.900000e+01 : f32
    %broadcast_in_dim3A_360 = vector.broadcast %jit3A_359 : f32 to vector<8x16384xf32>
    %select_n3A_361 = arith.select %lt3A_357, %broadcast_in_dim3A_360, %select_n3A_355 : vector<8x16384xi1>, vector<8x16384xf32>
    %slice3A_362 = vector.extract_strided_slice %add3A_9 {offsets = [480, 0], sizes = [8, 16384], strides = [1, 1]} : vector<512x16384xf32> to vector<8x16384xf32>
    %lt3A_363 = arith.cmpf olt, %slice3A_362, %select_n3A_358 : vector<8x16384xf32>
    %select_n3A_364 = arith.select %lt3A_363, %slice3A_362, %select_n3A_358 : vector<8x16384xi1>, vector<8x16384xf32>
    %jit3A_365 = arith.constant 6.000000e+01 : f32
    %broadcast_in_dim3A_366 = vector.broadcast %jit3A_365 : f32 to vector<8x16384xf32>
    %select_n3A_367 = arith.select %lt3A_363, %broadcast_in_dim3A_366, %select_n3A_361 : vector<8x16384xi1>, vector<8x16384xf32>
    %slice3A_368 = vector.extract_strided_slice %add3A_9 {offsets = [488, 0], sizes = [8, 16384], strides = [1, 1]} : vector<512x16384xf32> to vector<8x16384xf32>
    %lt3A_369 = arith.cmpf olt, %slice3A_368, %select_n3A_364 : vector<8x16384xf32>
    %select_n3A_370 = arith.select %lt3A_369, %slice3A_368, %select_n3A_364 : vector<8x16384xi1>, vector<8x16384xf32>
    %jit3A_371 = arith.constant 6.100000e+01 : f32
    %broadcast_in_dim3A_372 = vector.broadcast %jit3A_371 : f32 to vector<8x16384xf32>
    %select_n3A_373 = arith.select %lt3A_369, %broadcast_in_dim3A_372, %select_n3A_367 : vector<8x16384xi1>, vector<8x16384xf32>
    %slice3A_374 = vector.extract_strided_slice %add3A_9 {offsets = [496, 0], sizes = [8, 16384], strides = [1, 1]} : vector<512x16384xf32> to vector<8x16384xf32>
    %lt3A_375 = arith.cmpf olt, %slice3A_374, %select_n3A_370 : vector<8x16384xf32>
    %select_n3A_376 = arith.select %lt3A_375, %slice3A_374, %select_n3A_370 : vector<8x16384xi1>, vector<8x16384xf32>
    %jit3A_377 = arith.constant 6.200000e+01 : f32
    %broadcast_in_dim3A_378 = vector.broadcast %jit3A_377 : f32 to vector<8x16384xf32>
    %select_n3A_379 = arith.select %lt3A_375, %broadcast_in_dim3A_378, %select_n3A_373 : vector<8x16384xi1>, vector<8x16384xf32>
    %slice3A_380 = vector.extract_strided_slice %add3A_9 {offsets = [504, 0], sizes = [8, 16384], strides = [1, 1]} : vector<512x16384xf32> to vector<8x16384xf32>
    %lt3A_381 = arith.cmpf olt, %slice3A_380, %select_n3A_376 : vector<8x16384xf32>
    %select_n3A_382 = arith.select %lt3A_381, %slice3A_380, %select_n3A_376 : vector<8x16384xi1>, vector<8x16384xf32>
    %jit3A_383 = arith.constant 6.300000e+01 : f32
    %broadcast_in_dim3A_384 = vector.broadcast %jit3A_383 : f32 to vector<8x16384xf32>
    %select_n3A_385 = arith.select %lt3A_381, %broadcast_in_dim3A_384, %select_n3A_379 : vector<8x16384xi1>, vector<8x16384xf32>
    %iota3A = tpu.iota {dimensions = array<i32: 0>} : vector<8x16384xi32>
    %convert_element_type3A = arith.sitofp %iota3A : vector<8x16384xi32> to vector<8x16384xf32>
    %mul3A = arith.constant 8.000000e+00 : f32
    %mul3A_386 = vector.broadcast %mul3A : f32 to vector<8x16384xf32>
    %mul3A_387 = arith.mulf %select_n3A_385, %mul3A_386 : vector<8x16384xf32>
    %add3A_388 = arith.addf %mul3A_387, %convert_element_type3A : vector<8x16384xf32>
    %reduce_min3A = arith.constant dense<0x7F800000> : vector<16384xf32>
    %reduce_min3A_389 = vector.multi_reduction <minimumf>, %select_n3A_382, %reduce_min3A [0] : vector<8x16384xf32> to vector<16384xf32>
    %broadcast_in_dim3A_390 = vector.shape_cast %reduce_min3A_389 : vector<16384xf32> to vector<1x16384xf32>
    %le3A = vector.broadcast %broadcast_in_dim3A_390 : vector<1x16384xf32> to vector<8x16384xf32>
    %le3A_391 = arith.cmpf ole, %select_n3A_382, %le3A : vector<8x16384xf32>
    %jit3A_392 = arith.constant 1.024000e+03 : f32
    %broadcast_in_dim3A_393 = vector.broadcast %jit3A_392 : f32 to vector<8x16384xf32>
    %select_n3A_394 = arith.select %le3A_391, %add3A_388, %broadcast_in_dim3A_393 : vector<8x16384xi1>, vector<8x16384xf32>
    %reduce_min3A_395 = arith.constant dense<0x7F800000> : vector<16384xf32>
    %reduce_min3A_396 = vector.multi_reduction <minimumf>, %select_n3A_394, %reduce_min3A_395 [0] : vector<8x16384xf32> to vector<16384xf32>
    %broadcast_in_dim3A_397 = vector.shape_cast %reduce_min3A_396 : vector<16384xf32> to vector<1x16384xf32>
    %convert_element_type3A_398 = arith.fptosi %broadcast_in_dim3A_397 : vector<1x16384xf32> to vector<1x16384xi32>
    %swap3A = arith.constant 0 : index
    %swap3A_399 = arith.constant 0 : index
    %swap3A_400 = vector.load %arg4[%swap3A, %swap3A_399] : memref<1x16384xi32, #tpu.memory_space<vmem>>, vector<1x16384xi32>
    tpu.vector_store %arg4[%swap3A, %swap3A_399], %convert_element_type3A_398 {strides = array<i32>} : memref<1x16384xi32, #tpu.memory_space<vmem>>, vector<1x16384xi32>,
    return
  }
  func.func @transform_0(%arg0: i32) -> (i32, i32) {
    %c0_i32 = arith.constant 0 : i32
    %c0_i32_0 = arith.constant 0 : i32
    %c0_i32_1 = arith.constant 0 : i32
    return %c0_i32, %c0_i32_0 : i32, i32
  }
  func.func @transform_1(%arg0: i32) -> (i32, i32) {
    %c0_i32 = arith.constant 0 : i32
    %c0_i32_0 = arith.constant 0 : i32
    return %c0_i32, %arg0 : i32, i32
  }
  func.func @transform_2(%arg0: i32) -> (i32, i32) {
    %c0_i32 = arith.constant 0 : i32
    %c0_i32_0 = arith.constant 0 : i32
    %c0_i32_1 = arith.constant 0 : i32
    return %c0_i32, %c0_i32_0 : i32, i32
  }
  func.func @transform_3(%arg0: i32) -> (i32, i32) {
    %c0_i32 = arith.constant 0 : i32
    %c0_i32_0 = arith.constant 0 : i32
    return %c0_i32, %arg0 : i32, i32
  }
}

</mosaic_0001>

<sc_bundles>
// kernel: kernel.5.cloned.1.call-start
scs
__scs_entry_jumppad:
0x0: {  	(pc) =	sbr.rel $0x88, $3  }
0x1: {  	(tag) =	ssettag $0x0;
	lr =	simm.s32 $0x1  }
0x2: {  	[smem:$0x3F9F] =	sst lr;
	_ =	strace $0xD0000000  }
0x3: {  	_ = 	snop  }
0x4: {  	_ = 	snop  }
0x5: {  	_ = 	snop  }
0x6: {  	_ = 	snop  }
0x7: {  	_ = 	snop  }
__scs_overlays_trampoline_lowered:
0x8: {  	[smem:$0x3FAE] =	sst s0  }
0x9: {  	[smem:$0x3FAF] =	sst s1  }
0xa: {  	[smem:$0x3FB0] =	sst s2  }
0xb: {  	[smem:$0x3FB1] =	sst s3  }
0xc: {  	[smem:$0x3FB2] =	sst s4  }
0xd: {  	[smem:$0x3FB3] =	sst s5  }
0xe: {  	[smem:$0x3FB4] =	sst s6  }
0xf: {  	[smem:$0x3FB5] =	sst s7  }
0x10: {  	[smem:$0x3FB6] =	sst s8  }
0x11: {  	[smem:$0x3FB7] =	sst s9;
	s0 =	simm.s32 @!p0 $0x0  }
0x12: {  	s1 =	sld [smem:$0x3F9D];
	s0 =	simm.s32 @p0 $0x1  }
0x13: {  	[smem:$0x3FB8] =	sst s0;
	s0 =	simm.s32 @!p1 $0x0  }
0x14: {  	s2 =	sld [smem:$0x3F9C];
	s0 =	simm.s32 @p1 $0x1  }
0x15: {  	[smem:$0x3FB9] =	sst s0;
	s0 =	simm.s32 @!p2 $0x0  }
0x16: {  	s3 =	sld [smem:$0x3FDB];
	s0 =	simm.s32 @p2 $0x1  }
0x17: {  	s4 =	simm.s32 $0x1BF5;
	[smem:$0x3FBB] =	sst s0  }
0x18: {  	s0 =	sld [smem:$0x3F9E];
	_ =	swait.ge [sflag:s4], $0x0  }
0x19: {  	s7 =	sld [smem:$0x3F9F]  }
0x1a: {  	s8 =	sadd.s32 $0xFFFFE003, lr  }
0x1b: {  	s9 =	sadd.s32 $0xFFFFFEF7, lr;
	s5 =	simm.s32 $0xFFFFFFFF;
	p2 =	slt.u32 s8, $0xFFFFF086  }
0x1c: {  	p1 =	slt.u32 s9, $0xF7A;
	s5 =	simm.s32 @!p2 $0x0  }
0x1d: {  	s5 =	simm.s32 @p1 $0x1;
	p0 =	seq.s32 s7, s2  }
0x1e: {  	s7 =	smul.u32 @!p0 $0xF7A, s2;
	p2 =	seq.s32 @!p0 s5, $0x0  }
0x1f: {  	s9 =	smul.u32 $0xF7A, s1;
	s8 =	simm.s32 @!p0 $0x1BF5;
	p2 =	por !p2, p0  }
0x20: {  	[sflag:s8] =	ssyncset.s32 @!p0 $0xFFFFF086;
	s6 =	sadd.s32 @!p0 s3, s7;
	s7 =	simm.s32 @!p0 $0x108  }
0x21: {  	s3 =	sadd.s32 s3, s9;
	s6 =	sadd.s32 @!p0 $0x88, s6;
	s7 =	simm.s32 @p2 $0x1082  }
0x22: {  	[simem:s7], [sflag:s8] =	dma.local @!p0 [hbm:s6], $0xF7A  }
0x23: {  	s9 =	sor.u32 $0xD0000000, s2;
	s6 =	simm.s32 $0x108;
	_ =	swait.ge @!p0 [sflag:s8], $0x0  }
0x24: {  	s3 =	sadd.s32 $0x88, s3;
	s6 =	simm.s32 @!p1 $0x1082;
	[sflag:s4] =	ssyncset.s32 $0xFFFFF086  }
0x25: {  	[simem:s6], [sflag:s4] =	dma.local [hbm:s3], $0xF7A  }
0x26: {  	[smem:$0x3F9F] =	sst s1;
	(tag) =	ssettag s2;
	_ =	strace s9  }
0x27: {  	s1 =	sld [smem:$0x3FAF]  }
0x28: {  	s2 =	sld [smem:$0x3FB0]  }
0x29: {  	s4 =	sld [smem:$0x3FB2]  }
0x2a: {  	p0 =	seq.s32 s5, $0x0;
	s5 =	sld [smem:$0x3FB3]  }
0x2b: {  	s6 =	sld [smem:$0x3FB4]  }
0x2c: {  	s7 =	sld [smem:$0x3FB5]  }
0x2d: {  	s3 =	simm.s32 $0x108;
	s8 =	sld [smem:$0x3FB6]  }
0x2e: {  	s3 =	simm.s32 @!p0 $0x1082;
	s9 =	sld [smem:$0x3FB7]  }
0x2f: {  	lr =	sadd.s32 s0, s3;
	s0 =	sld [smem:$0x3FAE]  }
0x30: {  	s3 =	sld [smem:$0x3FB1]  }
0x31: {  	[smem:$0x3FBA] =	sst s10  }
0x32: {  	s10 =	sld [smem:$0x3FB8];
	_ =	sdelay $0x3  }
0x33: {  	p0 =	seq.s32 s10, $0x1;
	s10 =	sld [smem:$0x3FBA];
	_ =	sdelay $0x3  }
0x34: {  	[smem:$0x3FBA] =	sst s10  }
0x35: {  	s10 =	sld [smem:$0x3FB9];
	_ =	sdelay $0x3  }
0x36: {  	p1 =	seq.s32 s10, $0x1;
	s10 =	sld [smem:$0x3FBA];
	_ =	sdelay $0x3  }
0x37: {  	[smem:$0x3FBA] =	sst s10  }
0x38: {  	s10 =	sld [smem:$0x3FBB]  }
0x39: {  	_ = 	snop;
	(pc) =	sbr.ind lr, $3  }
0x3a: {  	_ = 	snop  }
0x3b: {  	_ = 	snop  }
0x3c: {  	p2 =	seq.s32 s10, $0x1;
	s10 =	sld [smem:$0x3FBA]  }
0x3d: {  	_ =	shalt  }
0x3e: {  	_ =	shalt  }
0x3f: {  	_ =	shalt  }
0x40: {  	_ =	shalt  }
0x41: {  	_ =	shalt  }
0x42: {  	_ =	shalt  }
0x43: {  	_ =	shalt  }
0x44: {  	_ =	shalt  }
0x45: {  	_ =	shalt  }
0x46: {  	_ =	shalt  }
0x47: {  	_ =	shalt  }
0x48: {  	_ =	shalt  }
0x49: {  	_ =	shalt  }
0x4a: {  	_ =	shalt  }
0x4b: {  	_ =	shalt  }
0x4c: {  	_ =	shalt  }
0x4d: {  	_ =	shalt  }
0x4e: {  	_ =	shalt  }
0x4f: {  	_ =	shalt  }
0x50: {  	_ =	shalt  }
0x51: {  	_ =	shalt  }
0x52: {  	_ =	shalt  }
0x53: {  	_ =	shalt  }
0x54: {  	_ =	shalt  }
0x55: {  	_ =	shalt  }
0x56: {  	_ =	shalt  }
0x57: {  	_ =	shalt  }
0x58: {  	_ =	shalt  }
0x59: {  	_ =	shalt  }
0x5a: {  	_ =	shalt  }
0x5b: {  	_ =	shalt  }
0x5c: {  	_ =	shalt  }
0x5d: {  	_ =	shalt  }
0x5e: {  	_ =	shalt  }
0x5f: {  	_ =	shalt  }
0x60: {  	_ =	shalt  }
0x61: {  	_ =	shalt  }
0x62: {  	_ =	shalt  }
0x63: {  	_ =	shalt  }
0x64: {  	_ =	shalt  }
0x65: {  	_ =	shalt  }
0x66: {  	_ =	shalt  }
0x67: {  	_ =	shalt  }
0x68: {  	_ =	shalt  }
0x69: {  	_ =	shalt  }
0x6a: {  	_ =	shalt  }
0x6b: {  	_ =	shalt  }
0x6c: {  	_ =	shalt  }
0x6d: {  	_ =	shalt  }
0x6e: {  	_ =	shalt  }
0x6f: {  	_ =	shalt  }
0x70: {  	_ =	shalt  }
0x71: {  	_ =	shalt  }
0x72: {  	_ =	shalt  }
0x73: {  	_ =	shalt  }
0x74: {  	_ =	shalt  }
0x75: {  	_ =	shalt  }
0x76: {  	_ =	shalt  }
0x77: {  	_ =	shalt  }
0x78: {  	_ =	shalt  }
0x79: {  	_ =	shalt  }
0x7a: {  	_ =	shalt  }
0x7b: {  	_ =	shalt  }
0x7c: {  	_ =	shalt  }
0x7d: {  	_ =	shalt  }
0x7e: {  	_ =	shalt  }
0x7f: {  	_ =	shalt  }
0x80: {  	_ =	shalt  }
0x81: {  	_ =	shalt  }
0x82: {  	_ =	shalt  }
0x83: {  	_ =	shalt  }
0x84: {  	_ =	shalt  }
0x85: {  	_ =	shalt  }
0x86: {  	_ =	shalt  }
0x87: {  	_ =	shalt  }
.Lfunc_end0:
.L_simem_size_0:
called_computation_lowered:
.L_overlay_start_0:
0x88: {  	s2 =	sld [smem:$0x3FD9]  }
0x89: {  	s3 =	sld [smem:$0x3FFE];
	_ =	sdelay $0x1  }
0x8a: {  	s1 =	srdreg.scid  }
0x8b: {  	s0 =	sand.u32 $0x1, s1  }
0x8c: {  	s16 =	sshll.u32 s0, $0xA;
	s2 =	sadd.s32 s3, s2  }
0x8d: {  	s2 =	sadd.s32 s2, s16  }
0x8e: {  	[smem:$0x3FC6] =	sst s2  }
0x8f: {  	_ = 	snop  }
0x90: {  	(tm) =	ssettm $0x1  }
0x91: {  	s17 =	sld [smem:$0x3FFB];
	_ =	sdelay $0x3  }
0x92: {  	_ =	strace s17  }
0x93: {  	s2 =	sld [smem:$0x3FFC];
	_ =	sdelay $0x3  }
0x94: {  	_ =	strace s2  }
0x95: {  	s2 =	sld [smem:$0x3FFD];
	_ =	sdelay $0x3  }
0x96: {  	_ =	strace s2  }
0x97: {  	_ =	strace $0x8FFFFFFF  }
0x98: {  	s18 =	sld [smem:$0x3FDB];
	_ =	sdelay $0x1  }
0x99: {  	s19 =	simm.s32 $_scs_section_size  }
0x9a: {  	s4 =	simm.s32 $_size__tile_overlayer_lowered;
	s5 =	simm.s32 $_tile_overlayer_lowered  }
0x9b: {  	s22 =	simm.s32 $0x1BFF;
	s21 =	sshll.u32 s5, $0x1;
	s2 =	sadd.s32 s19, s18  }
0x9c: {  	s6 =	simm.s32 $0x0;
	s20 =	sshll.u32 s4, $0x1;
	s4 =	sadd.s32 s21, s2  }
0x9d: {  	[timem:s6], [sflag:s22] =	dma.local [hbm:s4], s20  }
0x9e: {  	_ =	swait.ge [sflag:s22], s20  }
0x9f: {  	s3 =	ssub.s32 $0x0, s20;
	[sflag:s22] =	ssyncset.done $0x0  }
0xa0: {  	[sflag:s22] =	ssyncadd.s32 s3;
	_ =	sdelay $0x1  }
0xa1: {  	s23 =	simm.s32 $0x1B8B  }
0xa2: {  	_ =	swait.ge [sflag:s23], $0x1  }
0xa3: {  	[sflag:s23] =	ssyncset.done $0x0  }
0xa4: {  	s25 =	simm.s32 $0x1B8E;
	s24 =	sld [smem:$0x3FFE];
	[sflag:s23] =	ssyncadd.s32 $0xFFFFFFFF  }
0xa5: {  	s26 =	simm.s32 $execute0_lowered;
	[smem:$0x3FD2] =	sst s25  }
0xa6: {  	s4 =	sshll.u32 s26, $0x1;
	_ =	strace $0x80000046;
	[dreg:$0x1] =	wrdreg $0xFFFFFFFF  }
0xa7: {  	s28 =	simm.s32 $_size_execute0_lowered;
	s2 =	sadd.s32 s2, s4;
	[dreg:$0x0] =	wrdreg $0x0  }
0xa8: {  	s4 =	sshll.u32 s28, $0x1;
	[dreg:$0x2] =	wrdreg s2  }
0xa9: {  	[dreg:$0x3] =	wrdreg s4  }
0xaa: {  	[dreg:$0x4] =	wrdreg $0xC0  }
0xab: {  	_ =	task [dreg:s6], $0x5FFFF  }
0xac: {  	[dreg:$0x1] =	wrdreg $0xFFFFFFFF  }
0xad: {  	[dreg:$0x0] =	wrdreg $0x60  }
0xae: {  	[dreg:$0x2] =	wrdreg s24  }
0xaf: {  	[dreg:$0x3] =	wrdreg $0x9  }
0xb0: {  	_ =	task.clear_ibuf [dreg:s6], $0x4FFFF;
	_ =	strace $0x90000046  }
0xb1: {  	s29 =	simm.s32 $0x9;
	_ =	strace $0x80000048  }
0xb2: {  	_ =	swait.ge [sflag:s29], $0x1  }
0xb3: {  	[sflag:s29] =	ssyncadd.s32 $0xFFFFFFFF  }
0xb4: {  	_ =	strace $0x90000048  }
0xb5: {  	_ =	sfence  }
0xb6: {  	s30 =	sld [smem:$0x0];
	_ =	sdelay $0x2  }
0xb7: {  	s31 =	sshll.u32 s1, $0xD;
	s1 =	sshrl.u32 s1, $0x2  }
0xb8: {  	s3 =	sand.u32 $0x4000, s31;
	s1 =	sadd.s32 s1, s30  }
0xb9: {  	s0 =	sor.u32 s3, s0;
	s1 =	sshll.u32 s1, $0x11  }
0xba: {  	s0 =	sor.u32 s1, s0  }
0xbb: {  	s0 =	sadd.s32 $0x8F2B, s0  }
0xbc: {  	[sflag:s0] =	ssyncadd.remote.s32 $0x1  }
0xbd: {  	_ =	sfence.sel $0xFFFF  }
0xbe: {  	[dreg:$0x0] =	wrdreg $0xFFFFFFFF;
	(pc) =	sbr.abs _section_cstart, $3  }
0xbf: {  	[dreg:$0x1] =	wrdreg $0xFFFFFFFF  }
0xc0: {  	_ =	task.clear_ibuf [dreg:s6], $0x2FFFF;
	_ =	strace $0x9FFFFFFF  }
0xc1: {  	(tm) =	ssettm $0x7FFFFFFF  }
tec
execute0_lowered:
.L_overlay_start_1:
0x0: {  	(tag) =	ssettag $0x1  }
0x1: {  	s4 =	rddreg [dreg:$0x0]  }
0x2: {  	s0 =	rddreg [dreg:$0x1];
	s1 =	simm.s32 $0x0;
	s2 =	srdreg.scid  }
0x3: {  	v0 =	vlaneseq.u32;
	s9 =	simm.s32 $0x80000;
	s10 =	simm.s32 $0x4000;
	s11 =	simm.s32 $0x0  }
0x4: {  	[smem:$0x7FF] =	sst s1;
	s5 =	sand.u32 $0x1, s2;
	s3 =	sadd.s32 $0x600, s4;
	v0 =	vmul.u32 $0x80, v0  }
0x5: {  	s2 =	stileid.u32;
	s4 =	sadd.s32 $0x100600, s4;
	s6 =	ssub.s32 $0x2, s5  }
0x6: {  	s5 =	sshll.u32 s5, $0xF;
	s8 =	sshll.u32 s2, $0xB;
	s7 =	sshrl.u32 s6, $0x1;
	v1 =	vor.u32 $0x800, v0  }
0x7: {  	_ =	strace $0x80000047;
	s5 =	sor.u32 s8, s5;
	v2 =	vor.u32 $0x1000, v0;
	v3 =	vor.u32 $0x1800, v0;
	v4 =	vor.u32 $0x2000, v0;
	s6 =	ssub.s32 s6, s7  }
0x8: {  	s8 =	simm.s32 $0x400;
	v5 =	vor.u32 $0x2800, v0;
	v6 =	vor.u32 $0x3000, v0;
	v7 =	vor.u32 $0x3800, v0;
	s7 =	simm.s32 $0x1;
	s6 =	smax.u32 s6, $0x1  }
.LBB2_1:
0x9: {  	s12 =	simm.s32 $0x0  }
.LBB2_2:
0xa: {  	s14 =	simm.s32 $0x0  }
0xb: {  	v8 =	vmov s14  }
0xc: {  	s13 =	sshll.u32 s12, $0x7;
	v8 =	vand.u32 $0x7F, v8  }
0xd: {  	s13 =	sadd.s32 s5, s13;
	v8 =	vbroadcast v8, $0x0  }
0xe: {  	s15 =	sshll.u32 s13, $0x4  }
0xf: {  	s15 =	sadd.s32 s3, s15;
	v9 =	vor.u32 v0, v8  }
0x10: {  	[tilespmem:s14], [sflag:$0x1] =	stream.linear.gather [hbm4b:s15+s14], $0x4000, $0x38;
	[tilespmem:$0x5000] =	vst v63  }
0x11: {  	_ =	swait.ge [sflag:s7], $0x4000  }
0x12: {  	[sflag:s7] =	ssyncset.done $0x0  }
0x13: {  	[sflag:s7] =	ssyncadd.s32 $0xFFFFC000  }
0x14: {  	v9 =	vld.idx.msk [tilespmem:v9+s1+$0x0], $0xffff  }
0x15: {  	v10 =	vor.u32 v1, v8;
	_ =	sdelay $0x2  }
0x16: {  	s14 =	simm.s32 $0x4040  }
0x17: {  	[tilespmem:s14+$0xFFFFFFC0] =	vst v9  }
0x18: {  	v9 =	vld.idx.msk [tilespmem:v10+s1+$0x0], $0xffff  }
0x19: {  	v10 =	vor.u32 v2, v8;
	_ =	sdelay $0x3  }
0x1a: {  	[tilespmem:s14+$0xFFFFFFD0] =	vst v9  }
0x1b: {  	v9 =	vld.idx.msk [tilespmem:v10+s1+$0x0], $0xffff  }
0x1c: {  	v10 =	vor.u32 v3, v8;
	_ =	sdelay $0x3  }
0x1d: {  	[tilespmem:s14+$0xFFFFFFE0] =	vst v9  }
0x1e: {  	v9 =	vld.idx.msk [tilespmem:v10+s1+$0x0], $0xffff  }
0x1f: {  	v10 =	vor.u32 v4, v8;
	_ =	sdelay $0x3  }
0x20: {  	[tilespmem:s14+$0xFFFFFFF0] =	vst v9  }
0x21: {  	v9 =	vld.idx.msk [tilespmem:v10+s1+$0x0], $0xffff  }
0x22: {  	v10 =	vor.u32 v5, v8;
	_ =	sdelay $0x3  }
0x23: {  	[tilespmem:s14+$0x0] =	vst v9  }
0x24: {  	v9 =	vld.idx.msk [tilespmem:v10+s1+$0x0], $0xffff  }
0x25: {  	v10 =	vor.u32 v6, v8;
	_ =	sdelay $0x3  }
0x26: {  	[tilespmem:s14+$0x10] =	vst v9  }
0x27: {  	v9 =	vld.idx.msk [tilespmem:v10+s1+$0x0], $0xffff  }
0x28: {  	v8 =	vor.u32 v7, v8;
	_ =	sdelay $0x1  }
0x29: {  	s31 =	simm.s32 $0x1  }
0x2a: {  	s15 =	simm.s32 $0x2;
	v10 =	vmov s31  }
.LBB2_3:
0x2b: {  	p0 =	sne.s32 s15, $0x1F;
	v10 =	vand.u32 $0x7F, v10;
	[tilespmem:s14+$0x20] =	vst v9  }
0x2c: {  	v10 =	vbroadcast v10, $0x0;
	v8 =	vld.idx.msk [tilespmem:v8+s1+$0x0], $0xffff;
	_ =	sdelay $0x1  }
0x2d: {  	v9 =	vor.u32 v0, v10;
	_ =	sdelay $0x3  }
0x2e: {  	[tilespmem:s14+$0x30] =	vst v8  }
0x2f: {  	v8 =	vld.idx.msk [tilespmem:v9+s1+$0x0], $0xffff;
	_ =	sdelay $0x1  }
0x30: {  	v9 =	vor.u32 v1, v10;
	_ =	sdelay $0x2  }
0x31: {  	s14 =	sadd.s32 $0x80, s14  }
0x32: {  	[tilespmem:s14+$0xFFFFFFC0] =	vst v8  }
0x33: {  	v8 =	vld.idx.msk [tilespmem:v9+s1+$0x0], $0xffff;
	_ =	sdelay $0x1  }
0x34: {  	v9 =	vor.u32 v2, v10;
	_ =	sdelay $0x3  }
0x35: {  	[tilespmem:s14+$0xFFFFFFD0] =	vst v8  }
0x36: {  	v8 =	vld.idx.msk [tilespmem:v9+s1+$0x0], $0xffff;
	_ =	sdelay $0x1  }
0x37: {  	v9 =	vor.u32 v3, v10;
	_ =	sdelay $0x3  }
0x38: {  	[tilespmem:s14+$0xFFFFFFE0] =	vst v8  }
0x39: {  	v8 =	vld.idx.msk [tilespmem:v9+s1+$0x0], $0xffff;
	_ =	sdelay $0x1  }
0x3a: {  	v9 =	vor.u32 v4, v10;
	_ =	sdelay $0x3  }
0x3b: {  	[tilespmem:s14+$0xFFFFFFF0] =	vst v8  }
0x3c: {  	v8 =	vld.idx.msk [tilespmem:v9+s1+$0x0], $0xffff;
	_ =	sdelay $0x1  }
0x3d: {  	v9 =	vor.u32 v5, v10;
	_ =	sdelay $0x3  }
0x3e: {  	[tilespmem:s14+$0x0] =	vst v8  }
0x3f: {  	v8 =	vld.idx.msk [tilespmem:v9+s1+$0x0], $0xffff;
	_ =	sdelay $0x1  }
0x40: {  	v9 =	vor.u32 v6, v10;
	_ =	sdelay $0x3  }
0x41: {  	[tilespmem:s14+$0x10] =	vst v8  }
0x42: {  	v9 =	vld.idx.msk [tilespmem:v9+s1+$0x0], $0xffff  }
.Ltmp0:
0x43: {  	(pc) =	sbr.rel @p0 .LBB2_3-.Ltmp0, $2  }
0x44: {  	v8 =	vor.u32 v7, v10;
	_ =	sdelay $0x2  }
0x45: {  	v10 =	vmov s15;
	s15 =	sadd.s32 $0x1, s15  }
0x46: {  	_ =	sdelay $0x1  }
0x47: {  	v10 =	vand.u32 $0x7F, v10  }
0x48: {  	[tilespmem:s14+$0x20] =	vst v9;
	v57 =	vbroadcast v10, $0x0  }
0x49: {  	v8 =	vld.idx.msk [tilespmem:v8+s1+$0x0], $0xffff  }
0x4a: {  	v10 =	vor.u32 v0, v57;
	_ =	sdelay $0x3  }
0x4b: {  	[tilespmem:s14+$0x30] =	vst v8  }
0x4c: {  	v8 =	vld.idx.msk [tilespmem:v10+s1+$0x0], $0xffff  }
0x4d: {  	v58 =	vor.u32 v1, v57;
	_ =	sdelay $0x2  }
0x4e: {  	s31 =	sadd.s32 $0x80, s14  }
0x4f: {  	[tilespmem:s31+$0xFFFFFFC0] =	vst v8  }
0x50: {  	v8 =	vld.idx.msk [tilespmem:v58+s1+$0x0], $0xffff  }
0x51: {  	v59 =	vor.u32 v2, v57;
	_ =	sdelay $0x3  }
0x52: {  	[tilespmem:s31+$0xFFFFFFD0] =	vst v8  }
0x53: {  	v8 =	vld.idx.msk [tilespmem:v59+s1+$0x0], $0xffff  }
0x54: {  	v60 =	vor.u32 v3, v57;
	_ =	sdelay $0x3  }
0x55: {  	[tilespmem:s31+$0xFFFFFFE0] =	vst v8  }
0x56: {  	v8 =	vld.idx.msk [tilespmem:v60+s1+$0x0], $0xffff  }
0x57: {  	v61 =	vor.u32 v4, v57;
	_ =	sdelay $0x3  }
0x58: {  	[tilespmem:s31+$0xFFFFFFF0] =	vst v8  }
0x59: {  	v8 =	vld.idx.msk [tilespmem:v61+s1+$0x0], $0xffff  }
0x5a: {  	v62 =	vor.u32 v5, v57;
	_ =	sdelay $0x3  }
0x5b: {  	[tilespmem:s31+$0x0] =	vst v8  }
0x5c: {  	v8 =	vld.idx.msk [tilespmem:v62+s1+$0x0], $0xffff  }
0x5d: {  	v63 =	vor.u32 v6, v57;
	_ =	sdelay $0x3  }
0x5e: {  	[tilespmem:s31+$0x10] =	vst v8  }
0x5f: {  	v8 =	vld.idx.msk [tilespmem:v63+s1+$0x0], $0xffff  }
0x60: {  	v9 =	vor.u32 v7, v57;
	_ =	sdelay $0x3  }
0x61: {  	[tilespmem:s31+$0x20] =	vst v8  }
0x62: {  	v8 =	vld.idx.msk [tilespmem:v9+s1+$0x0], $0xffff;
	_ =	sdelay $0x2  }
0x63: {  	s12 =	sadd.s32 $0x1, s12  }
0x64: {  	p0 =	sne.s32 s12, $0x10  }
.Ltmp1:
0x65: {  	s13 =	sadd.s32 s4, s13;
	[tilespmem:s31+$0x30] =	vst v8;
	(pc) =	sbr.rel @p0 .LBB2_2-.Ltmp1, $4  }
0x66: {  	[hbm4b:s13+s8] =	stream.strided.scatter [tilespmem:s10], [sflag:$0x1], $0x1000, s9, s8, $0x38;
	[tilespmem:$0x5000] =	vst v63  }
0x67: {  	_ =	swait.ge [sflag:s7], $0x1000  }
0x68: {  	[sflag:s7] =	ssyncset.done $0x0  }
0x69: {  	[sflag:s7] =	ssyncadd.s32 $0xFFFFF000  }
0x6a: {  	s11 =	sadd.s32 $0x1, s11  }
0x6b: {  	p0 =	sne.s32 s11, s6  }
.Ltmp2:
0x6c: {  	_ = 	snop;
	(pc) =	sbr.rel @p0 .LBB2_1-.Ltmp2, $1  }
0x6d: {  	_ =	sdelay $0x3  }
0x6e: {  	_ =	sfence.sel $0x180000  }
0x6f: {  	[bflag:$0x0] =	sbarrier.arrive $0xFFFF  }
0x70: {  	p0 =	sne.s32 s2, $0x0;
	_ =	strace $0x90000047  }
0x71: {  	s0 =	sadd.s32 @!p0 $0x100000, s0;
	[bflag:$0x2] =	sbarrier.arrive $0xFFFF  }
0x72: {  	[sflag:s0] =	ssyncadd.tile.s32 @!p0 $0x1;
	_ =	shalt  }
.Lfunc_end2:
_tile_overlayer_lowered:
.L_overlay_start_2:
0x73: {  	(tag) =	ssettag $0x2  }
0x74: {  	s0 =	rddreg [dreg:$0x0];
	s2 =	stileid.u32  }
0x75: {  	s1 =	rddreg [dreg:$0x1];
	p0 =	sne.s32 s2, $0x0  }
0x76: {  	s3 =	rddreg [dreg:$0x2];
	[bflag:$0x3] =	sbarrier.arrive $0xFFFF;
	s2 =	simm.s32 @!p0 $0x1C02  }
0x77: {  	[timem:s3], [sflag:s2] =	dma.local @!p0 [hbm:s0], s1  }
0x78: {  	s0 =	simm.s32 @!p0 $0x2  }
0x79: {  	_ =	swait.ge @!p0 [sflag:s0], s1  }
0x7a: {  	s1 =	ssub.s32 @!p0 $0x0, s1;
	[sflag:s0] =	ssyncset.done @!p0 $0x0  }
0x7b: {  	[sflag:s0] =	ssyncadd.s32 @!p0 s1  }
0x7c: {  	[bflag:$0x3] =	sbarrier.arrive $0xFFFF  }
0x7d: {  	_ =	shalt  }

</sc_bundles>
